<compile_context>
chip_gen: v7x
topology: tpu7x:2x2x1
jax: 0.10.2.dev20260603
libtpu: 0.0.44.dev20260713+nightly
codegen_flags: <defaults>
</compile_context>

<pallas_src>
import functools

import jax
import jax.numpy as jnp
from jax import lax
from jax.experimental import pallas as pl
from jax.experimental.pallas import tpu as pltpu
from jax.experimental.pallas import tpu_sc as plsc

NVOX = 96
VOX3 = NVOX * NVOX * NVOX
N = 200000
CDIM = 32
ADIM = 23

L = 16
NC = 2
NSC = 16
NW = NC * NSC
RPW = 6272
NP = NW * RPW
VPW = VOX3 // NW
CHUNK = 6272
NCHUNK = NP // CHUNK
GCH = 896
NGCH = RPW // GCH

_MESH = plsc.VectorSubcoreMesh(core_axis_name="c", subcore_axis_name="s")
_SC_PARAMS = pltpu.CompilerParams(needs_layout_passes=False)
_SC_PARAMS_LINEAR = pltpu.CompilerParams(
    needs_layout_passes=False, use_tc_tiling_on_sc=False
)


def _wid():
  return lax.axis_index("s") * NC + lax.axis_index("c")


@functools.partial(
    pl.kernel,
    out_type=jax.ShapeDtypeStruct((NP,), jnp.int32),
    mesh=_MESH,
    compiler_params=_SC_PARAMS,
    scratch_types=[
        pltpu.VMEM((RPW * 3,), jnp.int32),
        pltpu.VMEM((RPW,), jnp.int32),
    ],
)
def _flat_kernel(coords_hbm, flat_hbm, cbuf, fbuf):
  base = _wid() * RPW
  pltpu.sync_copy(coords_hbm.at[pl.ds(base * 3, RPW * 3)], cbuf)
  lanes = lax.iota(jnp.int32, L)

  @plsc.parallel_loop(0, RPW // L, unroll=8)
  def _(k):
    r3 = (k * L + lanes) * 3
    x = plsc.load_gather(cbuf, [r3])
    y = plsc.load_gather(cbuf, [r3 + 1])
    z = plsc.load_gather(cbuf, [r3 + 2])
    fbuf[pl.ds(k * L, L)] = x * (NVOX * NVOX) + y * NVOX + z

  pltpu.sync_copy(fbuf, flat_hbm.at[pl.ds(base, RPW)])


@functools.partial(
    pl.kernel,
    out_type=jax.ShapeDtypeStruct((VOX3,), jnp.int32),
    mesh=_MESH,
    compiler_params=_SC_PARAMS,
    scratch_types=[
        pltpu.VMEM((VPW,), jnp.int32),
        pltpu.VMEM((CHUNK,), jnp.int32),
    ],
)
def _winner_kernel(flat_hbm, win_hbm, slc, fstage):
  wid = _wid()
  lo = wid * VPW
  lanes = lax.iota(jnp.int32, L)
  zeros = jnp.zeros((L,), jnp.int32)

  @plsc.parallel_loop(0, VPW // L, unroll=8)
  def _(k):
    slc[pl.ds(k * L, L)] = zeros

  def chunk_body(c, carry):
    pltpu.sync_copy(flat_hbm.at[pl.ds(c * CHUNK, CHUNK)], fstage)

    def vec_body(k, carry2):
      f = fstage[pl.ds(k * L, L)]
      rid = c * CHUNK + k * L + lanes
      m = (f >= lo) & (f < lo + VPW) & (rid < N)
      _, lastm = plsc.scan_count(f, m)
      loc = jnp.where(m, f - lo, 0)
      plsc.store_scatter(slc, [loc], rid, mask=lastm & m)
      return carry2

    return lax.fori_loop(0, CHUNK // L, vec_body, carry, unroll=4)

  lax.fori_loop(0, NCHUNK, chunk_body, 0)
  pltpu.sync_copy(slc, win_hbm.at[pl.ds(lo, VPW)])


@functools.partial(
    pl.kernel,
    out_type=jax.ShapeDtypeStruct((NP, CDIM), jnp.float32),
    mesh=_MESH,
    compiler_params=_SC_PARAMS_LINEAR,
    scratch_types=[
        pltpu.VMEM((RPW,), jnp.int32),
        pltpu.VMEM((RPW,), jnp.int32),
        pltpu.VMEM((GCH, CDIM), jnp.float32),
        pltpu.SemaphoreType.DMA,
    ],
)
def _gather_kernel(flat_hbm, win_hbm, vals_hbm, out_hbm, fidx, wrow, rows, sem):
  base = _wid() * RPW
  pltpu.sync_copy(flat_hbm.at[pl.ds(base, RPW)], fidx)
  pltpu.async_copy(win_hbm.at[fidx], wrow, sem).wait()
  for cc in range(NGCH):
    pltpu.async_copy(
        vals_hbm.at[wrow.at[pl.ds(cc * GCH, GCH)]], rows, sem
    ).wait()
    pltpu.sync_copy(rows, out_hbm.at[pl.ds(base + cc * GCH, GCH)])


_TC_BLK = 2000


@functools.partial(
    pl.pallas_call,
    out_shape=jax.ShapeDtypeStruct((N, ADIM), jnp.float32),
    grid=(N // _TC_BLK,),
    in_specs=[
        pl.BlockSpec((_TC_BLK, CDIM), lambda i: (i, 0)),
        pl.BlockSpec((CDIM, ADIM), lambda i: (0, 0)),
    ],
    out_specs=pl.BlockSpec((_TC_BLK, ADIM), lambda i: (i, 0)),
)
def _matmul_relu(x_ref, w_ref, o_ref):
  o_ref[...] = jnp.maximum(
      jnp.dot(x_ref[...], w_ref[...], preferred_element_type=jnp.float32), 0.0
  )


def kernel(vals, W, coords):
  coords_p = jnp.pad(coords, ((0, NP - N), (0, 0)))
  flat = _flat_kernel(coords_p.reshape(-1))
  win = _winner_kernel(flat)
  gathered = _gather_kernel(flat, win, vals)
  return _matmul_relu(gathered, W)

# --- scband reference (transcript-rebuilt; emitter-appended) ---
"""Pipeline reference for scband-render-network-1958505087028 (READ-ONLY COPY).

The authoritative reference and input builder live on the scoring server;
editing this copy changes nothing except your own understanding.
"""

import jax, jax.numpy as jnp
import numpy as np

N_VOX = 96
N_SPARSE = 200000
C = 32
A = 23  # 3 rgb + 20 semantic classes


def setup_inputs(seed: int = 0) -> dict:
    key = jax.random.key(seed)
    k1, k2, k3 = jax.random.split(key, 3)
    coords = jax.random.randint(k1, (N_SPARSE, 3), 0, N_VOX, dtype=jnp.int32)
    vals = jax.random.normal(k2, (N_SPARSE, C), dtype=jnp.float32)
    W = jax.random.normal(k3, (C, A), dtype=jnp.float32) * 0.05
    return {"vals": vals, "W": W, "coords": coords}


def reference(vals, W, coords):
    # Core scatter-memory pattern of RenderNetwork:
    # 1) per-voxel attribute prediction (stand-in for predict_attr MLP)
    # 2) sparse_to_dense_channel: scatter-overwrite sparse voxel attrs into a dense volume
    # 3) gather back at the sparse coords (vol_attr_pred[batch_ind] = attr_pred / volume indexing)
    flat = coords[:, 0] * (N_VOX * N_VOX) + coords[:, 1] * N_VOX + coords[:, 2]
    pred = jax.nn.relu(vals @ W)  # [N_SPARSE, A]
    dense = jnp.zeros((N_VOX * N_VOX * N_VOX, A), dtype=vals.dtype).at[flat].set(pred)
    out = jnp.take(dense, flat, axis=0)  # [N_SPARSE, A]
    return out

if __name__ == "__main__":
    import jax
    _d = setup_inputs()
    print(jax.jit(kernel)(*tuple(_d.values())))

</pallas_src>

<mosaic_0001>
#map = affine_map<(d0, d1) -> (0)>
module attributes {stable_mosaic.version = 14 : i64} {
  func.func @_flat_kernel(%arg0: i32, %arg1: i32, %arg2: memref<602112xi32, #tpu.memory_space<hbm>>, %arg3: memref<200704xi32, #tpu.memory_space<hbm>>, %arg4: memref<18816xi32, #tpu.memory_space<vmem>>, %arg5: memref<6272xi32, #tpu.memory_space<vmem>>) attributes {dimension_semantics = [#tpu.dimension_semantics<core_parallel>, #tpu.dimension_semantics<subcore_parallel>], iteration_bounds = array<i64: 2, 16>, scalar_prefetch = 0 : i64, scratch_operands = 2 : i64, tpu.core_type = #tpu.core_type<sc_vector_subcore>, window_params = [{transform_indices = #map}, {transform_indices = #map}]} {
    %mul3A = arith.constant 2 : i32
    %mul3A_0 = arith.muli %arg1, %mul3A : i32
    %add3A = arith.addi %mul3A_0, %arg0 : i32
    %mul3A_1 = arith.constant 6272 : i32
    %mul3A_2 = arith.muli %add3A, %mul3A_1 : i32
    %mul3A_3 = arith.constant 3 : i32
    %mul3A_4 = arith.muli %mul3A_2, %mul3A_3 : i32
    "tpu.region"() ({
      %run_scoped3A = tpu.sem_alloc : memref<!tpu.dma_semaphore, #tpu.memory_space<semaphore_mem>>
      %dma_start3A = tpu.memref_slice %arg2[%mul3A_4] : memref<602112xi32, #tpu.memory_space<hbm>> -> memref<18816xi32, #tpu.memory_space<hbm>>
      %dma_start3A_7 = tpu.memref_slice %arg2[%mul3A_4] : memref<602112xi32, #tpu.memory_space<hbm>> -> memref<18816xi32, #tpu.memory_space<hbm>>
      tpu.enqueue_dma source(%dma_start3A_7 : memref<18816xi32, #tpu.memory_space<hbm>>) target(%arg4 : memref<18816xi32, #tpu.memory_space<vmem>>) target_semaphore(%run_scoped3A : memref<!tpu.dma_semaphore, #tpu.memory_space<semaphore_mem>>)
      %dma_wait3A = tpu.memref_slice %arg2[%mul3A_4] : memref<602112xi32, #tpu.memory_space<hbm>> -> memref<18816xi32, #tpu.memory_space<hbm>>
      %dma_wait3A_8 = tpu.memref_slice %arg2[%mul3A_4] : memref<602112xi32, #tpu.memory_space<hbm>> -> memref<18816xi32, #tpu.memory_space<hbm>>
      tpu.wait_dma2 semaphore(%run_scoped3A : memref<!tpu.dma_semaphore, #tpu.memory_space<semaphore_mem>>) src(%dma_wait3A_8 : memref<18816xi32, #tpu.memory_space<hbm>>) dst(%arg4 : memref<18816xi32, #tpu.memory_space<vmem>>)
      tpu.yield
    }) : () -> ()
    %iota3A = tpu.iota {dimensions = array<i32: 0>} : vector<16xi32>
    %parallel_loop3A = arith.constant 0 : i32
    %parallel_loop3A_5 = arith.constant 392 : i32
    %parallel_loop3A_6 = arith.constant 1 : i32
    scf.for %parallel_loop3A_7 = %parallel_loop3A to %parallel_loop3A_5 step %parallel_loop3A_6  : i32 {
      %parallel_loop3A_8 = arith.constant 16 : i32
      %parallel_loop3A_9 = arith.muli %parallel_loop3A_7, %parallel_loop3A_8 : i32
      %parallel_loop3A_10 = vector.broadcast %parallel_loop3A_9 : i32 to vector<16xi32>
      %parallel_loop3A_11 = arith.addi %parallel_loop3A_10, %iota3A : vector<16xi32>
      %parallel_loop3A_12 = arith.constant 3 : i32
      %parallel_loop3A_13 = vector.broadcast %parallel_loop3A_12 : i32 to vector<16xi32>
      %parallel_loop3A_14 = arith.muli %parallel_loop3A_11, %parallel_loop3A_13 : vector<16xi32>
      %parallel_loop3A_15 = tpu.vector_load_idx %arg4[%parallel_loop3A_14] : memref<18816xi32, #tpu.memory_space<vmem>>[vector<16xi32>], vector<16xi32>,
      %parallel_loop3A_16 = arith.constant 1 : i32
      %parallel_loop3A_17 = vector.broadcast %parallel_loop3A_16 : i32 to vector<16xi32>
      %parallel_loop3A_18 = arith.addi %parallel_loop3A_14, %parallel_loop3A_17 : vector<16xi32>
      %parallel_loop3A_19 = tpu.vector_load_idx %arg4[%parallel_loop3A_18] : memref<18816xi32, #tpu.memory_space<vmem>>[vector<16xi32>], vector<16xi32>,
      %parallel_loop3A_20 = arith.constant 2 : i32
      %parallel_loop3A_21 = vector.broadcast %parallel_loop3A_20 : i32 to vector<16xi32>
      %parallel_loop3A_22 = arith.addi %parallel_loop3A_14, %parallel_loop3A_21 : vector<16xi32>
      %parallel_loop3A_23 = tpu.vector_load_idx %arg4[%parallel_loop3A_22] : memref<18816xi32, #tpu.memory_space<vmem>>[vector<16xi32>], vector<16xi32>,
      %parallel_loop3A_24 = arith.constant 9216 : i32
      %parallel_loop3A_25 = vector.broadcast %parallel_loop3A_24 : i32 to vector<16xi32>
      %parallel_loop3A_26 = arith.muli %parallel_loop3A_15, %parallel_loop3A_25 : vector<16xi32>
      %parallel_loop3A_27 = arith.constant 96 : i32
      %parallel_loop3A_28 = vector.broadcast %parallel_loop3A_27 : i32 to vector<16xi32>
      %parallel_loop3A_29 = arith.muli %parallel_loop3A_19, %parallel_loop3A_28 : vector<16xi32>
      %parallel_loop3A_30 = arith.addi %parallel_loop3A_26, %parallel_loop3A_29 : vector<16xi32>
      %parallel_loop3A_31 = arith.addi %parallel_loop3A_30, %parallel_loop3A_23 : vector<16xi32>
      %parallel_loop3A_32 = arith.constant 16 : i32
      %parallel_loop3A_33 = arith.muli %parallel_loop3A_7, %parallel_loop3A_32 : i32
      %parallel_loop3A_34 = arith.index_cast %parallel_loop3A_33 : i32 to index
      %parallel_loop3A_35 = tpu.vector_load %arg5[%parallel_loop3A_34] {strides = array<i32>} : memref<6272xi32, #tpu.memory_space<vmem>>, vector<16xi32>,
      tpu.vector_store %arg5[%parallel_loop3A_34], %parallel_loop3A_31 {strides = array<i32>} : memref<6272xi32, #tpu.memory_space<vmem>>, vector<16xi32>,
    } {sc.loop_unroll_factor = 8 : i64, sc.parallel_access}
    "tpu.region"() ({
      %run_scoped3A = tpu.sem_alloc : memref<!tpu.dma_semaphore, #tpu.memory_space<semaphore_mem>>
      %dma_start3A = tpu.memref_slice %arg3[%mul3A_2] : memref<200704xi32, #tpu.memory_space<hbm>> -> memref<6272xi32, #tpu.memory_space<hbm>>
      %dma_start3A_7 = tpu.memref_slice %arg3[%mul3A_2] : memref<200704xi32, #tpu.memory_space<hbm>> -> memref<6272xi32, #tpu.memory_space<hbm>>
      tpu.enqueue_dma source(%arg5 : memref<6272xi32, #tpu.memory_space<vmem>>) target(%dma_start3A_7 : memref<6272xi32, #tpu.memory_space<hbm>>) target_semaphore(%run_scoped3A : memref<!tpu.dma_semaphore, #tpu.memory_space<semaphore_mem>>)
      %dma_wait3A = tpu.memref_slice %arg3[%mul3A_2] : memref<200704xi32, #tpu.memory_space<hbm>> -> memref<6272xi32, #tpu.memory_space<hbm>>
      %dma_wait3A_8 = tpu.memref_slice %arg3[%mul3A_2] : memref<200704xi32, #tpu.memory_space<hbm>> -> memref<6272xi32, #tpu.memory_space<hbm>>
      tpu.wait_dma2 semaphore(%run_scoped3A : memref<!tpu.dma_semaphore, #tpu.memory_space<semaphore_mem>>) src(%arg5 : memref<6272xi32, #tpu.memory_space<vmem>>) dst(%dma_wait3A_8 : memref<6272xi32, #tpu.memory_space<hbm>>)
      tpu.yield
    }) : () -> ()
    return
  }
}

#map = affine_map<(d0, d1) -> (0)>
module attributes {stable_mosaic.version = 14 : i64} {
  func.func @_winner_kernel(%arg0: i32, %arg1: i32, %arg2: memref<200704xi32, #tpu.memory_space<hbm>>, %arg3: memref<884736xi32, #tpu.memory_space<hbm>>, %arg4: memref<27648xi32, #tpu.memory_space<vmem>>, %arg5: memref<6272xi32, #tpu.memory_space<vmem>>) attributes {dimension_semantics = [#tpu.dimension_semantics<core_parallel>, #tpu.dimension_semantics<subcore_parallel>], iteration_bounds = array<i64: 2, 16>, scalar_prefetch = 0 : i64, scratch_operands = 2 : i64, tpu.core_type = #tpu.core_type<sc_vector_subcore>, window_params = [{transform_indices = #map}, {transform_indices = #map}]} {
    %mul3A = arith.constant 2 : i32
    %mul3A_0 = arith.muli %arg1, %mul3A : i32
    %add3A = arith.addi %mul3A_0, %arg0 : i32
    %mul3A_1 = arith.constant 27648 : i32
    %mul3A_2 = arith.muli %add3A, %mul3A_1 : i32
    %iota3A = tpu.iota {dimensions = array<i32: 0>} : vector<16xi32>
    %broadcast_in_dim3A = arith.constant 0 : i32
    %broadcast_in_dim3A_3 = vector.broadcast %broadcast_in_dim3A : i32 to vector<16xi32>
    %parallel_loop3A = arith.constant 0 : i32
    %parallel_loop3A_4 = arith.constant 1728 : i32
    %parallel_loop3A_5 = arith.constant 1 : i32
    scf.for %parallel_loop3A_11 = %parallel_loop3A to %parallel_loop3A_4 step %parallel_loop3A_5  : i32 {
      %parallel_loop3A_12 = arith.constant 16 : i32
      %parallel_loop3A_13 = arith.muli %parallel_loop3A_11, %parallel_loop3A_12 : i32
      %parallel_loop3A_14 = arith.index_cast %parallel_loop3A_13 : i32 to index
      %parallel_loop3A_15 = tpu.vector_load %arg4[%parallel_loop3A_14] {strides = array<i32>} : memref<27648xi32, #tpu.memory_space<vmem>>, vector<16xi32>,
      tpu.vector_store %arg4[%parallel_loop3A_14], %broadcast_in_dim3A_3 {strides = array<i32>} : memref<27648xi32, #tpu.memory_space<vmem>>, vector<16xi32>,
    } {sc.loop_unroll_factor = 8 : i64, sc.parallel_access}
    %scan3A = arith.constant 0 : i32
    %scan3A_6 = arith.constant 0 : i32
    %scan3A_7 = arith.constant 32 : i32
    %scan3A_8 = arith.addi %scan3A_6, %scan3A_7 : i32
    %scan3A_9 = arith.constant 1 : i32
    scf.for %scan3A_11 = %scan3A_6 to %scan3A_8 step %scan3A_9  : i32 {
      %mul3A_12 = arith.constant 6272 : i32
      %mul3A_13 = arith.muli %scan3A_11, %mul3A_12 : i32
      "tpu.region"() ({
        %run_scoped3A = tpu.sem_alloc : memref<!tpu.dma_semaphore, #tpu.memory_space<semaphore_mem>>
        %dma_start3A = tpu.memref_slice %arg2[%mul3A_13] : memref<200704xi32, #tpu.memory_space<hbm>> -> memref<6272xi32, #tpu.memory_space<hbm>>
        %dma_start3A_19 = tpu.memref_slice %arg2[%mul3A_13] : memref<200704xi32, #tpu.memory_space<hbm>> -> memref<6272xi32, #tpu.memory_space<hbm>>
        tpu.enqueue_dma source(%dma_start3A_19 : memref<6272xi32, #tpu.memory_space<hbm>>) target(%arg5 : memref<6272xi32, #tpu.memory_space<vmem>>) target_semaphore(%run_scoped3A : memref<!tpu.dma_semaphore, #tpu.memory_space<semaphore_mem>>)
        %dma_wait3A = tpu.memref_slice %arg2[%mul3A_13] : memref<200704xi32, #tpu.memory_space<hbm>> -> memref<6272xi32, #tpu.memory_space<hbm>>
        %dma_wait3A_20 = tpu.memref_slice %arg2[%mul3A_13] : memref<200704xi32, #tpu.memory_space<hbm>> -> memref<6272xi32, #tpu.memory_space<hbm>>
        tpu.wait_dma2 semaphore(%run_scoped3A : memref<!tpu.dma_semaphore, #tpu.memory_space<semaphore_mem>>) src(%dma_wait3A_20 : memref<6272xi32, #tpu.memory_space<hbm>>) dst(%arg5 : memref<6272xi32, #tpu.memory_space<vmem>>)
        tpu.yield
      }) : () -> ()
      %scan3A_14 = arith.constant 0 : i32
      %scan3A_15 = arith.constant 392 : i32
      %scan3A_16 = arith.addi %scan3A_14, %scan3A_15 : i32
      %scan3A_17 = arith.constant 4 : i32
      scf.for %scan3A_19 = %scan3A_14 to %scan3A_16 step %scan3A_17  : i32 {
        %mul3A_20 = arith.constant 16 : i32
        %mul3A_21 = arith.muli %scan3A_19, %mul3A_20 : i32
        %get3A = arith.index_cast %mul3A_21 : i32 to index
        %get3A_22 = tpu.vector_load %arg5[%get3A] {strides = array<i32>} : memref<6272xi32, #tpu.memory_space<vmem>>, vector<16xi32>,
        %mul3A_23 = arith.constant 6272 : i32
        %mul3A_24 = arith.muli %scan3A_11, %mul3A_23 : i32
        %mul3A_25 = arith.constant 16 : i32
        %mul3A_26 = arith.muli %scan3A_19, %mul3A_25 : i32
        %add3A_27 = arith.addi %mul3A_24, %mul3A_26 : i32
        %add3A_28 = vector.broadcast %add3A_27 : i32 to vector<16xi32>
        %add3A_29 = arith.addi %add3A_28, %iota3A : vector<16xi32>
        %ge3A = vector.broadcast %mul3A_2 : i32 to vector<16xi32>
        %ge3A_30 = arith.cmpi sge, %get3A_22, %ge3A : vector<16xi32>
        %add3A_31 = arith.constant 27648 : i32
        %add3A_32 = arith.addi %mul3A_2, %add3A_31 : i32
        %lt3A = vector.broadcast %add3A_32 : i32 to vector<16xi32>
        %lt3A_33 = arith.cmpi slt, %get3A_22, %lt3A : vector<16xi32>
        %and3A = arith.andi %ge3A_30, %lt3A_33 : vector<16xi1>
        %lt3A_34 = arith.constant 200000 : i32
        %lt3A_35 = vector.broadcast %lt3A_34 : i32 to vector<16xi32>
        %lt3A_36 = arith.cmpi slt, %add3A_29, %lt3A_35 : vector<16xi32>
        %and3A_37 = arith.andi %and3A, %lt3A_36 : vector<16xi1>
        %unique3A, %unique3A_38 = tpu.scan_count mask(%and3A_37 : vector<16xi1>) value(%get3A_22 : vector<16xi32>) : vector<16xi1>, vector<16xi32>
        %sub3A = vector.broadcast %mul3A_2 : i32 to vector<16xi32>
        %sub3A_39 = arith.subi %get3A_22, %sub3A : vector<16xi32>
        %jit3A = arith.constant 0 : i32
        %broadcast_in_dim3A_40 = vector.broadcast %jit3A : i32 to vector<16xi32>
        %select_n3A = arith.select %and3A_37, %sub3A_39, %broadcast_in_dim3A_40 : vector<16xi1>, vector<16xi32>
        %and3A_41 = arith.andi %unique3A, %and3A_37 : vector<16xi1>
        tpu.vector_store_idx %arg4[%select_n3A], %add3A_29 masked %and3A_41 : memref<27648xi32, #tpu.memory_space<vmem>>[vector<16xi32>], vector<16xi32>, vector<16xi1>
        %scan3A_42 = arith.constant 1 : i32
        %scan3A_43 = arith.addi %scan3A_19, %scan3A_42 : i32
        %mul3A_44 = arith.constant 16 : i32
        %mul3A_45 = arith.muli %scan3A_43, %mul3A_44 : i32
        %get3A_46 = arith.index_cast %mul3A_45 : i32 to index
        %get3A_47 = tpu.vector_load %arg5[%get3A_46] {strides = array<i32>} : memref<6272xi32, #tpu.memory_space<vmem>>, vector<16xi32>,
        %mul3A_48 = arith.constant 6272 : i32
        %mul3A_49 = arith.muli %scan3A_11, %mul3A_48 : i32
        %mul3A_50 = arith.constant 16 : i32
        %mul3A_51 = arith.muli %scan3A_43, %mul3A_50 : i32
        %add3A_52 = arith.addi %mul3A_49, %mul3A_51 : i32
        %add3A_53 = vector.broadcast %add3A_52 : i32 to vector<16xi32>
        %add3A_54 = arith.addi %add3A_53, %iota3A : vector<16xi32>
        %ge3A_55 = vector.broadcast %mul3A_2 : i32 to vector<16xi32>
        %ge3A_56 = arith.cmpi sge, %get3A_47, %ge3A_55 : vector<16xi32>
        %add3A_57 = arith.constant 27648 : i32
        %add3A_58 = arith.addi %mul3A_2, %add3A_57 : i32
        %lt3A_59 = vector.broadcast %add3A_58 : i32 to vector<16xi32>
        %lt3A_60 = arith.cmpi slt, %get3A_47, %lt3A_59 : vector<16xi32>
        %and3A_61 = arith.andi %ge3A_56, %lt3A_60 : vector<16xi1>
        %lt3A_62 = arith.constant 200000 : i32
        %lt3A_63 = vector.broadcast %lt3A_62 : i32 to vector<16xi32>
        %lt3A_64 = arith.cmpi slt, %add3A_54, %lt3A_63 : vector<16xi32>
        %and3A_65 = arith.andi %and3A_61, %lt3A_64 : vector<16xi1>
        %unique3A_66, %unique3A_67 = tpu.scan_count mask(%and3A_65 : vector<16xi1>) value(%get3A_47 : vector<16xi32>) : vector<16xi1>, vector<16xi32>
        %sub3A_68 = vector.broadcast %mul3A_2 : i32 to vector<16xi32>
        %sub3A_69 = arith.subi %get3A_47, %sub3A_68 : vector<16xi32>
        %jit3A_70 = arith.constant 0 : i32
        %broadcast_in_dim3A_71 = vector.broadcast %jit3A_70 : i32 to vector<16xi32>
        %select_n3A_72 = arith.select %and3A_65, %sub3A_69, %broadcast_in_dim3A_71 : vector<16xi1>, vector<16xi32>
        %and3A_73 = arith.andi %unique3A_66, %and3A_65 : vector<16xi1>
        tpu.vector_store_idx %arg4[%select_n3A_72], %add3A_54 masked %and3A_73 : memref<27648xi32, #tpu.memory_space<vmem>>[vector<16xi32>], vector<16xi32>, vector<16xi1>
        %scan3A_74 = arith.constant 2 : i32
        %scan3A_75 = arith.addi %scan3A_19, %scan3A_74 : i32
        %mul3A_76 = arith.constant 16 : i32
        %mul3A_77 = arith.muli %scan3A_75, %mul3A_76 : i32
        %get3A_78 = arith.index_cast %mul3A_77 : i32 to index
        %get3A_79 = tpu.vector_load %arg5[%get3A_78] {strides = array<i32>} : memref<6272xi32, #tpu.memory_space<vmem>>, vector<16xi32>,
        %mul3A_80 = arith.constant 6272 : i32
        %mul3A_81 = arith.muli %scan3A_11, %mul3A_80 : i32
        %mul3A_82 = arith.constant 16 : i32
        %mul3A_83 = arith.muli %scan3A_75, %mul3A_82 : i32
        %add3A_84 = arith.addi %mul3A_81, %mul3A_83 : i32
        %add3A_85 = vector.broadcast %add3A_84 : i32 to vector<16xi32>
        %add3A_86 = arith.addi %add3A_85, %iota3A : vector<16xi32>
        %ge3A_87 = vector.broadcast %mul3A_2 : i32 to vector<16xi32>
        %ge3A_88 = arith.cmpi sge, %get3A_79, %ge3A_87 : vector<16xi32>
        %add3A_89 = arith.constant 27648 : i32
        %add3A_90 = arith.addi %mul3A_2, %add3A_89 : i32
        %lt3A_91 = vector.broadcast %add3A_90 : i32 to vector<16xi32>
        %lt3A_92 = arith.cmpi slt, %get3A_79, %lt3A_91 : vector<16xi32>
        %and3A_93 = arith.andi %ge3A_88, %lt3A_92 : vector<16xi1>
        %lt3A_94 = arith.constant 200000 : i32
        %lt3A_95 = vector.broadcast %lt3A_94 : i32 to vector<16xi32>
        %lt3A_96 = arith.cmpi slt, %add3A_86, %lt3A_95 : vector<16xi32>
        %and3A_97 = arith.andi %and3A_93, %lt3A_96 : vector<16xi1>
        %unique3A_98, %unique3A_99 = tpu.scan_count mask(%and3A_97 : vector<16xi1>) value(%get3A_79 : vector<16xi32>) : vector<16xi1>, vector<16xi32>
        %sub3A_100 = vector.broadcast %mul3A_2 : i32 to vector<16xi32>
        %sub3A_101 = arith.subi %get3A_79, %sub3A_100 : vector<16xi32>
        %jit3A_102 = arith.constant 0 : i32
        %broadcast_in_dim3A_103 = vector.broadcast %jit3A_102 : i32 to vector<16xi32>
        %select_n3A_104 = arith.select %and3A_97, %sub3A_101, %broadcast_in_dim3A_103 : vector<16xi1>, vector<16xi32>
        %and3A_105 = arith.andi %unique3A_98, %and3A_97 : vector<16xi1>
        tpu.vector_store_idx %arg4[%select_n3A_104], %add3A_86 masked %and3A_105 : memref<27648xi32, #tpu.memory_space<vmem>>[vector<16xi32>], vector<16xi32>, vector<16xi1>
        %scan3A_106 = arith.constant 3 : i32
        %scan3A_107 = arith.addi %scan3A_19, %scan3A_106 : i32
        %mul3A_108 = arith.constant 16 : i32
        %mul3A_109 = arith.muli %scan3A_107, %mul3A_108 : i32
        %get3A_110 = arith.index_cast %mul3A_109 : i32 to index
        %get3A_111 = tpu.vector_load %arg5[%get3A_110] {strides = array<i32>} : memref<6272xi32, #tpu.memory_space<vmem>>, vector<16xi32>,
        %mul3A_112 = arith.constant 6272 : i32
        %mul3A_113 = arith.muli %scan3A_11, %mul3A_112 : i32
        %mul3A_114 = arith.constant 16 : i32
        %mul3A_115 = arith.muli %scan3A_107, %mul3A_114 : i32
        %add3A_116 = arith.addi %mul3A_113, %mul3A_115 : i32
        %add3A_117 = vector.broadcast %add3A_116 : i32 to vector<16xi32>
        %add3A_118 = arith.addi %add3A_117, %iota3A : vector<16xi32>
        %ge3A_119 = vector.broadcast %mul3A_2 : i32 to vector<16xi32>
        %ge3A_120 = arith.cmpi sge, %get3A_111, %ge3A_119 : vector<16xi32>
        %add3A_121 = arith.constant 27648 : i32
        %add3A_122 = arith.addi %mul3A_2, %add3A_121 : i32
        %lt3A_123 = vector.broadcast %add3A_122 : i32 to vector<16xi32>
        %lt3A_124 = arith.cmpi slt, %get3A_111, %lt3A_123 : vector<16xi32>
        %and3A_125 = arith.andi %ge3A_120, %lt3A_124 : vector<16xi1>
        %lt3A_126 = arith.constant 200000 : i32
        %lt3A_127 = vector.broadcast %lt3A_126 : i32 to vector<16xi32>
        %lt3A_128 = arith.cmpi slt, %add3A_118, %lt3A_127 : vector<16xi32>
        %and3A_129 = arith.andi %and3A_125, %lt3A_128 : vector<16xi1>
        %unique3A_130, %unique3A_131 = tpu.scan_count mask(%and3A_129 : vector<16xi1>) value(%get3A_111 : vector<16xi32>) : vector<16xi1>, vector<16xi32>
        %sub3A_132 = vector.broadcast %mul3A_2 : i32 to vector<16xi32>
        %sub3A_133 = arith.subi %get3A_111, %sub3A_132 : vector<16xi32>
        %jit3A_134 = arith.constant 0 : i32
        %broadcast_in_dim3A_135 = vector.broadcast %jit3A_134 : i32 to vector<16xi32>
        %select_n3A_136 = arith.select %and3A_129, %sub3A_133, %broadcast_in_dim3A_135 : vector<16xi1>, vector<16xi32>
        %and3A_137 = arith.andi %unique3A_130, %and3A_129 : vector<16xi1>
        tpu.vector_store_idx %arg4[%select_n3A_136], %add3A_118 masked %and3A_137 : memref<27648xi32, #tpu.memory_space<vmem>>[vector<16xi32>], vector<16xi32>, vector<16xi1>
      }
      %scan3A_18 = arith.constant 392 : i32
    }
    %scan3A_10 = arith.constant 32 : i32
    "tpu.region"() ({
      %run_scoped3A = tpu.sem_alloc : memref<!tpu.dma_semaphore, #tpu.memory_space<semaphore_mem>>
      %dma_start3A = tpu.memref_slice %arg3[%mul3A_2] : memref<884736xi32, #tpu.memory_space<hbm>> -> memref<27648xi32, #tpu.memory_space<hbm>>
      %dma_start3A_11 = tpu.memref_slice %arg3[%mul3A_2] : memref<884736xi32, #tpu.memory_space<hbm>> -> memref<27648xi32, #tpu.memory_space<hbm>>
      tpu.enqueue_dma source(%arg4 : memref<27648xi32, #tpu.memory_space<vmem>>) target(%dma_start3A_11 : memref<27648xi32, #tpu.memory_space<hbm>>) target_semaphore(%run_scoped3A : memref<!tpu.dma_semaphore, #tpu.memory_space<semaphore_mem>>)
      %dma_wait3A = tpu.memref_slice %arg3[%mul3A_2] : memref<884736xi32, #tpu.memory_space<hbm>> -> memref<27648xi32, #tpu.memory_space<hbm>>
      %dma_wait3A_12 = tpu.memref_slice %arg3[%mul3A_2] : memref<884736xi32, #tpu.memory_space<hbm>> -> memref<27648xi32, #tpu.memory_space<hbm>>
      tpu.wait_dma2 semaphore(%run_scoped3A : memref<!tpu.dma_semaphore, #tpu.memory_space<semaphore_mem>>) src(%arg4 : memref<27648xi32, #tpu.memory_space<vmem>>) dst(%dma_wait3A_12 : memref<27648xi32, #tpu.memory_space<hbm>>)
      tpu.yield
    }) : () -> ()
    return
  }
}

#map = affine_map<(d0, d1) -> (0)>
#map1 = affine_map<(d0, d1) -> (0, 0)>
module attributes {stable_mosaic.version = 14 : i64} {
  func.func @_gather_kernel(%arg0: i32, %arg1: i32, %arg2: memref<200704xi32, #tpu.memory_space<hbm>>, %arg3: memref<884736xi32, #tpu.memory_space<hbm>>, %arg4: memref<200000x32xf32, #tpu.memory_space<hbm>>, %arg5: memref<200704x32xf32, #tpu.memory_space<hbm>>, %arg6: memref<6272xi32, #tpu.memory_space<vmem>>, %arg7: memref<6272xi32, #tpu.memory_space<vmem>>, %arg8: memref<896x32xf32, #tpu.memory_space<vmem>>, %arg9: memref<!tpu.dma_semaphore, #tpu.memory_space<semaphore_mem>>) attributes {dimension_semantics = [#tpu.dimension_semantics<core_parallel>, #tpu.dimension_semantics<subcore_parallel>], iteration_bounds = array<i64: 2, 16>, scalar_prefetch = 0 : i64, scratch_operands = 4 : i64, tpu.core_type = #tpu.core_type<sc_vector_subcore>, window_params = [{transform_indices = #map}, {transform_indices = #map}, {transform_indices = #map1}, {transform_indices = #map1}]} {
    %mul3A = arith.constant 2 : i32
    %mul3A_0 = arith.muli %arg1, %mul3A : i32
    %add3A = arith.addi %mul3A_0, %arg0 : i32
    %mul3A_1 = arith.constant 6272 : i32
    %mul3A_2 = arith.muli %add3A, %mul3A_1 : i32
    "tpu.region"() ({
      %run_scoped3A = tpu.sem_alloc : memref<!tpu.dma_semaphore, #tpu.memory_space<semaphore_mem>>
      %dma_start3A_89 = tpu.memref_slice %arg2[%mul3A_2] : memref<200704xi32, #tpu.memory_space<hbm>> -> memref<6272xi32, #tpu.memory_space<hbm>>
      %dma_start3A_90 = tpu.memref_slice %arg2[%mul3A_2] : memref<200704xi32, #tpu.memory_space<hbm>> -> memref<6272xi32, #tpu.memory_space<hbm>>
      tpu.enqueue_dma source(%dma_start3A_90 : memref<6272xi32, #tpu.memory_space<hbm>>) target(%arg6 : memref<6272xi32, #tpu.memory_space<vmem>>) target_semaphore(%run_scoped3A : memref<!tpu.dma_semaphore, #tpu.memory_space<semaphore_mem>>)
      %dma_wait3A_91 = tpu.memref_slice %arg2[%mul3A_2] : memref<200704xi32, #tpu.memory_space<hbm>> -> memref<6272xi32, #tpu.memory_space<hbm>>
      %dma_wait3A_92 = tpu.memref_slice %arg2[%mul3A_2] : memref<200704xi32, #tpu.memory_space<hbm>> -> memref<6272xi32, #tpu.memory_space<hbm>>
      tpu.wait_dma2 semaphore(%run_scoped3A : memref<!tpu.dma_semaphore, #tpu.memory_space<semaphore_mem>>) src(%dma_wait3A_92 : memref<6272xi32, #tpu.memory_space<hbm>>) dst(%arg6 : memref<6272xi32, #tpu.memory_space<vmem>>)
      tpu.yield
    }) : () -> ()
    %dma_start3A = arith.constant 0 : i32
    %dma_start3A_3 = tpu.memref_slice %arg3[%dma_start3A] : memref<884736xi32, #tpu.memory_space<hbm>> -> memref<884736xi32, #tpu.memory_space<hbm>>
    tpu.enqueue_indirect_dma source(%dma_start3A_3 : memref<884736xi32, #tpu.memory_space<hbm>>) target(%arg7 : memref<6272xi32, #tpu.memory_space<vmem>>) offsets(%arg6 : memref<6272xi32, #tpu.memory_space<vmem>>) semaphore(%arg9 : memref<!tpu.dma_semaphore, #tpu.memory_space<semaphore_mem>>)
    %dma_wait3A = arith.constant 0 : i32
    %dma_wait3A_4 = tpu.memref_slice %arg3[%dma_wait3A] : memref<884736xi32, #tpu.memory_space<hbm>> -> memref<884736xi32, #tpu.memory_space<hbm>>
    tpu.wait_indirect_dma semaphore(%arg9 : memref<!tpu.dma_semaphore, #tpu.memory_space<semaphore_mem>>) src(%dma_wait3A_4 : memref<884736xi32, #tpu.memory_space<hbm>>) dst(%arg7 : memref<6272xi32, #tpu.memory_space<vmem>>)
    %dma_start3A_5 = arith.constant 0 : i32
    %dma_start3A_6 = tpu.memref_slice %arg7[%dma_start3A_5] : memref<6272xi32, #tpu.memory_space<vmem>> -> memref<896xi32, #tpu.memory_space<vmem>>
    %dma_start3A_7 = arith.constant 0 : i32
    %dma_start3A_8 = arith.constant 0 : i32
    %dma_start3A_9 = tpu.memref_slice %arg4[%dma_start3A_7, %dma_start3A_8] : memref<200000x32xf32, #tpu.memory_space<hbm>> -> memref<200000x32xf32, #tpu.memory_space<hbm>>
    tpu.enqueue_indirect_dma source(%dma_start3A_9 : memref<200000x32xf32, #tpu.memory_space<hbm>>) target(%arg8 : memref<896x32xf32, #tpu.memory_space<vmem>>) offsets(%dma_start3A_6 : memref<896xi32, #tpu.memory_space<vmem>>) semaphore(%arg9 : memref<!tpu.dma_semaphore, #tpu.memory_space<semaphore_mem>>)
    %dma_wait3A_10 = arith.constant 0 : i32
    %dma_wait3A_11 = tpu.memref_slice %arg7[%dma_wait3A_10] : memref<6272xi32, #tpu.memory_space<vmem>> -> memref<896xi32, #tpu.memory_space<vmem>>
    %dma_wait3A_12 = arith.constant 0 : i32
    %dma_wait3A_13 = arith.constant 0 : i32
    %dma_wait3A_14 = tpu.memref_slice %arg4[%dma_wait3A_12, %dma_wait3A_13] : memref<200000x32xf32, #tpu.memory_space<hbm>> -> memref<200000x32xf32, #tpu.memory_space<hbm>>
    tpu.wait_indirect_dma semaphore(%arg9 : memref<!tpu.dma_semaphore, #tpu.memory_space<semaphore_mem>>) src(%dma_wait3A_14 : memref<200000x32xf32, #tpu.memory_space<hbm>>) dst(%arg8 : memref<896x32xf32, #tpu.memory_space<vmem>>)
    %add3A_15 = arith.constant 0 : i32
    %add3A_16 = arith.addi %mul3A_2, %add3A_15 : i32
    "tpu.region"() ({
      %run_scoped3A = tpu.sem_alloc : memref<!tpu.dma_semaphore, #tpu.memory_space<semaphore_mem>>
      %dma_start3A_89 = arith.constant 0 : i32
      %dma_start3A_90 = tpu.memref_slice %arg5[%add3A_16, %dma_start3A_89] : memref<200704x32xf32, #tpu.memory_space<hbm>> -> memref<896x32xf32, #tpu.memory_space<hbm>>
      %dma_start3A_91 = arith.constant 0 : i32
      %dma_start3A_92 = tpu.memref_slice %arg5[%add3A_16, %dma_start3A_91] : memref<200704x32xf32, #tpu.memory_space<hbm>> -> memref<896x32xf32, #tpu.memory_space<hbm>>
      tpu.enqueue_dma source(%arg8 : memref<896x32xf32, #tpu.memory_space<vmem>>) target(%dma_start3A_92 : memref<896x32xf32, #tpu.memory_space<hbm>>) target_semaphore(%run_scoped3A : memref<!tpu.dma_semaphore, #tpu.memory_space<semaphore_mem>>)
      %dma_wait3A_93 = arith.constant 0 : i32
      %dma_wait3A_94 = tpu.memref_slice %arg5[%add3A_16, %dma_wait3A_93] : memref<200704x32xf32, #tpu.memory_space<hbm>> -> memref<896x32xf32, #tpu.memory_space<hbm>>
      %dma_wait3A_95 = arith.constant 0 : i32
      %dma_wait3A_96 = tpu.memref_slice %arg5[%add3A_16, %dma_wait3A_95] : memref<200704x32xf32, #tpu.memory_space<hbm>> -> memref<896x32xf32, #tpu.memory_space<hbm>>
      tpu.wait_dma2 semaphore(%run_scoped3A : memref<!tpu.dma_semaphore, #tpu.memory_space<semaphore_mem>>) src(%arg8 : memref<896x32xf32, #tpu.memory_space<vmem>>) dst(%dma_wait3A_96 : memref<896x32xf32, #tpu.memory_space<hbm>>)
      tpu.yield
    }) : () -> ()
    %dma_start3A_17 = arith.constant 896 : i32
    %dma_start3A_18 = tpu.memref_slice %arg7[%dma_start3A_17] : memref<6272xi32, #tpu.memory_space<vmem>> -> memref<896xi32, #tpu.memory_space<vmem>>
    %dma_start3A_19 = arith.constant 0 : i32
    %dma_start3A_20 = arith.constant 0 : i32
    %dma_start3A_21 = tpu.memref_slice %arg4[%dma_start3A_19, %dma_start3A_20] : memref<200000x32xf32, #tpu.memory_space<hbm>> -> memref<200000x32xf32, #tpu.memory_space<hbm>>
    tpu.enqueue_indirect_dma source(%dma_start3A_21 : memref<200000x32xf32, #tpu.memory_space<hbm>>) target(%arg8 : memref<896x32xf32, #tpu.memory_space<vmem>>) offsets(%dma_start3A_18 : memref<896xi32, #tpu.memory_space<vmem>>) semaphore(%arg9 : memref<!tpu.dma_semaphore, #tpu.memory_space<semaphore_mem>>)
    %dma_wait3A_22 = arith.constant 896 : i32
    %dma_wait3A_23 = tpu.memref_slice %arg7[%dma_wait3A_22] : memref<6272xi32, #tpu.memory_space<vmem>> -> memref<896xi32, #tpu.memory_space<vmem>>
    %dma_wait3A_24 = arith.constant 0 : i32
    %dma_wait3A_25 = arith.constant 0 : i32
    %dma_wait3A_26 = tpu.memref_slice %arg4[%dma_wait3A_24, %dma_wait3A_25] : memref<200000x32xf32, #tpu.memory_space<hbm>> -> memref<200000x32xf32, #tpu.memory_space<hbm>>
    tpu.wait_indirect_dma semaphore(%arg9 : memref<!tpu.dma_semaphore, #tpu.memory_space<semaphore_mem>>) src(%dma_wait3A_26 : memref<200000x32xf32, #tpu.memory_space<hbm>>) dst(%arg8 : memref<896x32xf32, #tpu.memory_space<vmem>>)
    %add3A_27 = arith.constant 896 : i32
    %add3A_28 = arith.addi %mul3A_2, %add3A_27 : i32
    "tpu.region"() ({
      %run_scoped3A = tpu.sem_alloc : memref<!tpu.dma_semaphore, #tpu.memory_space<semaphore_mem>>
      %dma_start3A_89 = arith.constant 0 : i32
      %dma_start3A_90 = tpu.memref_slice %arg5[%add3A_28, %dma_start3A_89] : memref<200704x32xf32, #tpu.memory_space<hbm>> -> memref<896x32xf32, #tpu.memory_space<hbm>>
      %dma_start3A_91 = arith.constant 0 : i32
      %dma_start3A_92 = tpu.memref_slice %arg5[%add3A_28, %dma_start3A_91] : memref<200704x32xf32, #tpu.memory_space<hbm>> -> memref<896x32xf32, #tpu.memory_space<hbm>>
      tpu.enqueue_dma source(%arg8 : memref<896x32xf32, #tpu.memory_space<vmem>>) target(%dma_start3A_92 : memref<896x32xf32, #tpu.memory_space<hbm>>) target_semaphore(%run_scoped3A : memref<!tpu.dma_semaphore, #tpu.memory_space<semaphore_mem>>)
      %dma_wait3A_93 = arith.constant 0 : i32
      %dma_wait3A_94 = tpu.memref_slice %arg5[%add3A_28, %dma_wait3A_93] : memref<200704x32xf32, #tpu.memory_space<hbm>> -> memref<896x32xf32, #tpu.memory_space<hbm>>
      %dma_wait3A_95 = arith.constant 0 : i32
      %dma_wait3A_96 = tpu.memref_slice %arg5[%add3A_28, %dma_wait3A_95] : memref<200704x32xf32, #tpu.memory_space<hbm>> -> memref<896x32xf32, #tpu.memory_space<hbm>>
      tpu.wait_dma2 semaphore(%run_scoped3A : memref<!tpu.dma_semaphore, #tpu.memory_space<semaphore_mem>>) src(%arg8 : memref<896x32xf32, #tpu.memory_space<vmem>>) dst(%dma_wait3A_96 : memref<896x32xf32, #tpu.memory_space<hbm>>)
      tpu.yield
    }) : () -> ()
    %dma_start3A_29 = arith.constant 1792 : i32
    %dma_start3A_30 = tpu.memref_slice %arg7[%dma_start3A_29] : memref<6272xi32, #tpu.memory_space<vmem>> -> memref<896xi32, #tpu.memory_space<vmem>>
    %dma_start3A_31 = arith.constant 0 : i32
    %dma_start3A_32 = arith.constant 0 : i32
    %dma_start3A_33 = tpu.memref_slice %arg4[%dma_start3A_31, %dma_start3A_32] : memref<200000x32xf32, #tpu.memory_space<hbm>> -> memref<200000x32xf32, #tpu.memory_space<hbm>>
    tpu.enqueue_indirect_dma source(%dma_start3A_33 : memref<200000x32xf32, #tpu.memory_space<hbm>>) target(%arg8 : memref<896x32xf32, #tpu.memory_space<vmem>>) offsets(%dma_start3A_30 : memref<896xi32, #tpu.memory_space<vmem>>) semaphore(%arg9 : memref<!tpu.dma_semaphore, #tpu.memory_space<semaphore_mem>>)
    %dma_wait3A_34 = arith.constant 1792 : i32
    %dma_wait3A_35 = tpu.memref_slice %arg7[%dma_wait3A_34] : memref<6272xi32, #tpu.memory_space<vmem>> -> memref<896xi32, #tpu.memory_space<vmem>>
    %dma_wait3A_36 = arith.constant 0 : i32
    %dma_wait3A_37 = arith.constant 0 : i32
    %dma_wait3A_38 = tpu.memref_slice %arg4[%dma_wait3A_36, %dma_wait3A_37] : memref<200000x32xf32, #tpu.memory_space<hbm>> -> memref<200000x32xf32, #tpu.memory_space<hbm>>
    tpu.wait_indirect_dma semaphore(%arg9 : memref<!tpu.dma_semaphore, #tpu.memory_space<semaphore_mem>>) src(%dma_wait3A_38 : memref<200000x32xf32, #tpu.memory_space<hbm>>) dst(%arg8 : memref<896x32xf32, #tpu.memory_space<vmem>>)
    %add3A_39 = arith.constant 1792 : i32
    %add3A_40 = arith.addi %mul3A_2, %add3A_39 : i32
    "tpu.region"() ({
      %run_scoped3A = tpu.sem_alloc : memref<!tpu.dma_semaphore, #tpu.memory_space<semaphore_mem>>
      %dma_start3A_89 = arith.constant 0 : i32
      %dma_start3A_90 = tpu.memref_slice %arg5[%add3A_40, %dma_start3A_89] : memref<200704x32xf32, #tpu.memory_space<hbm>> -> memref<896x32xf32, #tpu.memory_space<hbm>>
      %dma_start3A_91 = arith.constant 0 : i32
      %dma_start3A_92 = tpu.memref_slice %arg5[%add3A_40, %dma_start3A_91] : memref<200704x32xf32, #tpu.memory_space<hbm>> -> memref<896x32xf32, #tpu.memory_space<hbm>>
      tpu.enqueue_dma source(%arg8 : memref<896x32xf32, #tpu.memory_space<vmem>>) target(%dma_start3A_92 : memref<896x32xf32, #tpu.memory_space<hbm>>) target_semaphore(%run_scoped3A : memref<!tpu.dma_semaphore, #tpu.memory_space<semaphore_mem>>)
      %dma_wait3A_93 = arith.constant 0 : i32
      %dma_wait3A_94 = tpu.memref_slice %arg5[%add3A_40, %dma_wait3A_93] : memref<200704x32xf32, #tpu.memory_space<hbm>> -> memref<896x32xf32, #tpu.memory_space<hbm>>
      %dma_wait3A_95 = arith.constant 0 : i32
      %dma_wait3A_96 = tpu.memref_slice %arg5[%add3A_40, %dma_wait3A_95] : memref<200704x32xf32, #tpu.memory_space<hbm>> -> memref<896x32xf32, #tpu.memory_space<hbm>>
      tpu.wait_dma2 semaphore(%run_scoped3A : memref<!tpu.dma_semaphore, #tpu.memory_space<semaphore_mem>>) src(%arg8 : memref<896x32xf32, #tpu.memory_space<vmem>>) dst(%dma_wait3A_96 : memref<896x32xf32, #tpu.memory_space<hbm>>)
      tpu.yield
    }) : () -> ()
    %dma_start3A_41 = arith.constant 2688 : i32
    %dma_start3A_42 = tpu.memref_slice %arg7[%dma_start3A_41] : memref<6272xi32, #tpu.memory_space<vmem>> -> memref<896xi32, #tpu.memory_space<vmem>>
    %dma_start3A_43 = arith.constant 0 : i32
    %dma_start3A_44 = arith.constant 0 : i32
    %dma_start3A_45 = tpu.memref_slice %arg4[%dma_start3A_43, %dma_start3A_44] : memref<200000x32xf32, #tpu.memory_space<hbm>> -> memref<200000x32xf32, #tpu.memory_space<hbm>>
    tpu.enqueue_indirect_dma source(%dma_start3A_45 : memref<200000x32xf32, #tpu.memory_space<hbm>>) target(%arg8 : memref<896x32xf32, #tpu.memory_space<vmem>>) offsets(%dma_start3A_42 : memref<896xi32, #tpu.memory_space<vmem>>) semaphore(%arg9 : memref<!tpu.dma_semaphore, #tpu.memory_space<semaphore_mem>>)
    %dma_wait3A_46 = arith.constant 2688 : i32
    %dma_wait3A_47 = tpu.memref_slice %arg7[%dma_wait3A_46] : memref<6272xi32, #tpu.memory_space<vmem>> -> memref<896xi32, #tpu.memory_space<vmem>>
    %dma_wait3A_48 = arith.constant 0 : i32
    %dma_wait3A_49 = arith.constant 0 : i32
    %dma_wait3A_50 = tpu.memref_slice %arg4[%dma_wait3A_48, %dma_wait3A_49] : memref<200000x32xf32, #tpu.memory_space<hbm>> -> memref<200000x32xf32, #tpu.memory_space<hbm>>
    tpu.wait_indirect_dma semaphore(%arg9 : memref<!tpu.dma_semaphore, #tpu.memory_space<semaphore_mem>>) src(%dma_wait3A_50 : memref<200000x32xf32, #tpu.memory_space<hbm>>) dst(%arg8 : memref<896x32xf32, #tpu.memory_space<vmem>>)
    %add3A_51 = arith.constant 2688 : i32
    %add3A_52 = arith.addi %mul3A_2, %add3A_51 : i32
    "tpu.region"() ({
      %run_scoped3A = tpu.sem_alloc : memref<!tpu.dma_semaphore, #tpu.memory_space<semaphore_mem>>
      %dma_start3A_89 = arith.constant 0 : i32
      %dma_start3A_90 = tpu.memref_slice %arg5[%add3A_52, %dma_start3A_89] : memref<200704x32xf32, #tpu.memory_space<hbm>> -> memref<896x32xf32, #tpu.memory_space<hbm>>
      %dma_start3A_91 = arith.constant 0 : i32
      %dma_start3A_92 = tpu.memref_slice %arg5[%add3A_52, %dma_start3A_91] : memref<200704x32xf32, #tpu.memory_space<hbm>> -> memref<896x32xf32, #tpu.memory_space<hbm>>
      tpu.enqueue_dma source(%arg8 : memref<896x32xf32, #tpu.memory_space<vmem>>) target(%dma_start3A_92 : memref<896x32xf32, #tpu.memory_space<hbm>>) target_semaphore(%run_scoped3A : memref<!tpu.dma_semaphore, #tpu.memory_space<semaphore_mem>>)
      %dma_wait3A_93 = arith.constant 0 : i32
      %dma_wait3A_94 = tpu.memref_slice %arg5[%add3A_52, %dma_wait3A_93] : memref<200704x32xf32, #tpu.memory_space<hbm>> -> memref<896x32xf32, #tpu.memory_space<hbm>>
      %dma_wait3A_95 = arith.constant 0 : i32
      %dma_wait3A_96 = tpu.memref_slice %arg5[%add3A_52, %dma_wait3A_95] : memref<200704x32xf32, #tpu.memory_space<hbm>> -> memref<896x32xf32, #tpu.memory_space<hbm>>
      tpu.wait_dma2 semaphore(%run_scoped3A : memref<!tpu.dma_semaphore, #tpu.memory_space<semaphore_mem>>) src(%arg8 : memref<896x32xf32, #tpu.memory_space<vmem>>) dst(%dma_wait3A_96 : memref<896x32xf32, #tpu.memory_space<hbm>>)
      tpu.yield
    }) : () -> ()
    %dma_start3A_53 = arith.constant 3584 : i32
    %dma_start3A_54 = tpu.memref_slice %arg7[%dma_start3A_53] : memref<6272xi32, #tpu.memory_space<vmem>> -> memref<896xi32, #tpu.memory_space<vmem>>
    %dma_start3A_55 = arith.constant 0 : i32
    %dma_start3A_56 = arith.constant 0 : i32
    %dma_start3A_57 = tpu.memref_slice %arg4[%dma_start3A_55, %dma_start3A_56] : memref<200000x32xf32, #tpu.memory_space<hbm>> -> memref<200000x32xf32, #tpu.memory_space<hbm>>
    tpu.enqueue_indirect_dma source(%dma_start3A_57 : memref<200000x32xf32, #tpu.memory_space<hbm>>) target(%arg8 : memref<896x32xf32, #tpu.memory_space<vmem>>) offsets(%dma_start3A_54 : memref<896xi32, #tpu.memory_space<vmem>>) semaphore(%arg9 : memref<!tpu.dma_semaphore, #tpu.memory_space<semaphore_mem>>)
    %dma_wait3A_58 = arith.constant 3584 : i32
    %dma_wait3A_59 = tpu.memref_slice %arg7[%dma_wait3A_58] : memref<6272xi32, #tpu.memory_space<vmem>> -> memref<896xi32, #tpu.memory_space<vmem>>
    %dma_wait3A_60 = arith.constant 0 : i32
    %dma_wait3A_61 = arith.constant 0 : i32
    %dma_wait3A_62 = tpu.memref_slice %arg4[%dma_wait3A_60, %dma_wait3A_61] : memref<200000x32xf32, #tpu.memory_space<hbm>> -> memref<200000x32xf32, #tpu.memory_space<hbm>>
    tpu.wait_indirect_dma semaphore(%arg9 : memref<!tpu.dma_semaphore, #tpu.memory_space<semaphore_mem>>) src(%dma_wait3A_62 : memref<200000x32xf32, #tpu.memory_space<hbm>>) dst(%arg8 : memref<896x32xf32, #tpu.memory_space<vmem>>)
    %add3A_63 = arith.constant 3584 : i32
    %add3A_64 = arith.addi %mul3A_2, %add3A_63 : i32
    "tpu.region"() ({
      %run_scoped3A = tpu.sem_alloc : memref<!tpu.dma_semaphore, #tpu.memory_space<semaphore_mem>>
      %dma_start3A_89 = arith.constant 0 : i32
      %dma_start3A_90 = tpu.memref_slice %arg5[%add3A_64, %dma_start3A_89] : memref<200704x32xf32, #tpu.memory_space<hbm>> -> memref<896x32xf32, #tpu.memory_space<hbm>>
      %dma_start3A_91 = arith.constant 0 : i32
      %dma_start3A_92 = tpu.memref_slice %arg5[%add3A_64, %dma_start3A_91] : memref<200704x32xf32, #tpu.memory_space<hbm>> -> memref<896x32xf32, #tpu.memory_space<hbm>>
      tpu.enqueue_dma source(%arg8 : memref<896x32xf32, #tpu.memory_space<vmem>>) target(%dma_start3A_92 : memref<896x32xf32, #tpu.memory_space<hbm>>) target_semaphore(%run_scoped3A : memref<!tpu.dma_semaphore, #tpu.memory_space<semaphore_mem>>)
      %dma_wait3A_93 = arith.constant 0 : i32
      %dma_wait3A_94 = tpu.memref_slice %arg5[%add3A_64, %dma_wait3A_93] : memref<200704x32xf32, #tpu.memory_space<hbm>> -> memref<896x32xf32, #tpu.memory_space<hbm>>
      %dma_wait3A_95 = arith.constant 0 : i32
      %dma_wait3A_96 = tpu.memref_slice %arg5[%add3A_64, %dma_wait3A_95] : memref<200704x32xf32, #tpu.memory_space<hbm>> -> memref<896x32xf32, #tpu.memory_space<hbm>>
      tpu.wait_dma2 semaphore(%run_scoped3A : memref<!tpu.dma_semaphore, #tpu.memory_space<semaphore_mem>>) src(%arg8 : memref<896x32xf32, #tpu.memory_space<vmem>>) dst(%dma_wait3A_96 : memref<896x32xf32, #tpu.memory_space<hbm>>)
      tpu.yield
    }) : () -> ()
    %dma_start3A_65 = arith.constant 4480 : i32
    %dma_start3A_66 = tpu.memref_slice %arg7[%dma_start3A_65] : memref<6272xi32, #tpu.memory_space<vmem>> -> memref<896xi32, #tpu.memory_space<vmem>>
    %dma_start3A_67 = arith.constant 0 : i32
    %dma_start3A_68 = arith.constant 0 : i32
    %dma_start3A_69 = tpu.memref_slice %arg4[%dma_start3A_67, %dma_start3A_68] : memref<200000x32xf32, #tpu.memory_space<hbm>> -> memref<200000x32xf32, #tpu.memory_space<hbm>>
    tpu.enqueue_indirect_dma source(%dma_start3A_69 : memref<200000x32xf32, #tpu.memory_space<hbm>>) target(%arg8 : memref<896x32xf32, #tpu.memory_space<vmem>>) offsets(%dma_start3A_66 : memref<896xi32, #tpu.memory_space<vmem>>) semaphore(%arg9 : memref<!tpu.dma_semaphore, #tpu.memory_space<semaphore_mem>>)
    %dma_wait3A_70 = arith.constant 4480 : i32
    %dma_wait3A_71 = tpu.memref_slice %arg7[%dma_wait3A_70] : memref<6272xi32, #tpu.memory_space<vmem>> -> memref<896xi32, #tpu.memory_space<vmem>>
    %dma_wait3A_72 = arith.constant 0 : i32
    %dma_wait3A_73 = arith.constant 0 : i32
    %dma_wait3A_74 = tpu.memref_slice %arg4[%dma_wait3A_72, %dma_wait3A_73] : memref<200000x32xf32, #tpu.memory_space<hbm>> -> memref<200000x32xf32, #tpu.memory_space<hbm>>
    tpu.wait_indirect_dma semaphore(%arg9 : memref<!tpu.dma_semaphore, #tpu.memory_space<semaphore_mem>>) src(%dma_wait3A_74 : memref<200000x32xf32, #tpu.memory_space<hbm>>) dst(%arg8 : memref<896x32xf32, #tpu.memory_space<vmem>>)
    %add3A_75 = arith.constant 4480 : i32
    %add3A_76 = arith.addi %mul3A_2, %add3A_75 : i32
    "tpu.region"() ({
      %run_scoped3A = tpu.sem_alloc : memref<!tpu.dma_semaphore, #tpu.memory_space<semaphore_mem>>
      %dma_start3A_89 = arith.constant 0 : i32
      %dma_start3A_90 = tpu.memref_slice %arg5[%add3A_76, %dma_start3A_89] : memref<200704x32xf32, #tpu.memory_space<hbm>> -> memref<896x32xf32, #tpu.memory_space<hbm>>
      %dma_start3A_91 = arith.constant 0 : i32
      %dma_start3A_92 = tpu.memref_slice %arg5[%add3A_76, %dma_start3A_91] : memref<200704x32xf32, #tpu.memory_space<hbm>> -> memref<896x32xf32, #tpu.memory_space<hbm>>
      tpu.enqueue_dma source(%arg8 : memref<896x32xf32, #tpu.memory_space<vmem>>) target(%dma_start3A_92 : memref<896x32xf32, #tpu.memory_space<hbm>>) target_semaphore(%run_scoped3A : memref<!tpu.dma_semaphore, #tpu.memory_space<semaphore_mem>>)
      %dma_wait3A_93 = arith.constant 0 : i32
      %dma_wait3A_94 = tpu.memref_slice %arg5[%add3A_76, %dma_wait3A_93] : memref<200704x32xf32, #tpu.memory_space<hbm>> -> memref<896x32xf32, #tpu.memory_space<hbm>>
      %dma_wait3A_95 = arith.constant 0 : i32
      %dma_wait3A_96 = tpu.memref_slice %arg5[%add3A_76, %dma_wait3A_95] : memref<200704x32xf32, #tpu.memory_space<hbm>> -> memref<896x32xf32, #tpu.memory_space<hbm>>
      tpu.wait_dma2 semaphore(%run_scoped3A : memref<!tpu.dma_semaphore, #tpu.memory_space<semaphore_mem>>) src(%arg8 : memref<896x32xf32, #tpu.memory_space<vmem>>) dst(%dma_wait3A_96 : memref<896x32xf32, #tpu.memory_space<hbm>>)
      tpu.yield
    }) : () -> ()
    %dma_start3A_77 = arith.constant 5376 : i32
    %dma_start3A_78 = tpu.memref_slice %arg7[%dma_start3A_77] : memref<6272xi32, #tpu.memory_space<vmem>> -> memref<896xi32, #tpu.memory_space<vmem>>
    %dma_start3A_79 = arith.constant 0 : i32
    %dma_start3A_80 = arith.constant 0 : i32
    %dma_start3A_81 = tpu.memref_slice %arg4[%dma_start3A_79, %dma_start3A_80] : memref<200000x32xf32, #tpu.memory_space<hbm>> -> memref<200000x32xf32, #tpu.memory_space<hbm>>
    tpu.enqueue_indirect_dma source(%dma_start3A_81 : memref<200000x32xf32, #tpu.memory_space<hbm>>) target(%arg8 : memref<896x32xf32, #tpu.memory_space<vmem>>) offsets(%dma_start3A_78 : memref<896xi32, #tpu.memory_space<vmem>>) semaphore(%arg9 : memref<!tpu.dma_semaphore, #tpu.memory_space<semaphore_mem>>)
    %dma_wait3A_82 = arith.constant 5376 : i32
    %dma_wait3A_83 = tpu.memref_slice %arg7[%dma_wait3A_82] : memref<6272xi32, #tpu.memory_space<vmem>> -> memref<896xi32, #tpu.memory_space<vmem>>
    %dma_wait3A_84 = arith.constant 0 : i32
    %dma_wait3A_85 = arith.constant 0 : i32
    %dma_wait3A_86 = tpu.memref_slice %arg4[%dma_wait3A_84, %dma_wait3A_85] : memref<200000x32xf32, #tpu.memory_space<hbm>> -> memref<200000x32xf32, #tpu.memory_space<hbm>>
    tpu.wait_indirect_dma semaphore(%arg9 : memref<!tpu.dma_semaphore, #tpu.memory_space<semaphore_mem>>) src(%dma_wait3A_86 : memref<200000x32xf32, #tpu.memory_space<hbm>>) dst(%arg8 : memref<896x32xf32, #tpu.memory_space<vmem>>)
    %add3A_87 = arith.constant 5376 : i32
    %add3A_88 = arith.addi %mul3A_2, %add3A_87 : i32
    "tpu.region"() ({
      %run_scoped3A = tpu.sem_alloc : memref<!tpu.dma_semaphore, #tpu.memory_space<semaphore_mem>>
      %dma_start3A_89 = arith.constant 0 : i32
      %dma_start3A_90 = tpu.memref_slice %arg5[%add3A_88, %dma_start3A_89] : memref<200704x32xf32, #tpu.memory_space<hbm>> -> memref<896x32xf32, #tpu.memory_space<hbm>>
      %dma_start3A_91 = arith.constant 0 : i32
      %dma_start3A_92 = tpu.memref_slice %arg5[%add3A_88, %dma_start3A_91] : memref<200704x32xf32, #tpu.memory_space<hbm>> -> memref<896x32xf32, #tpu.memory_space<hbm>>
      tpu.enqueue_dma source(%arg8 : memref<896x32xf32, #tpu.memory_space<vmem>>) target(%dma_start3A_92 : memref<896x32xf32, #tpu.memory_space<hbm>>) target_semaphore(%run_scoped3A : memref<!tpu.dma_semaphore, #tpu.memory_space<semaphore_mem>>)
      %dma_wait3A_93 = arith.constant 0 : i32
      %dma_wait3A_94 = tpu.memref_slice %arg5[%add3A_88, %dma_wait3A_93] : memref<200704x32xf32, #tpu.memory_space<hbm>> -> memref<896x32xf32, #tpu.memory_space<hbm>>
      %dma_wait3A_95 = arith.constant 0 : i32
      %dma_wait3A_96 = tpu.memref_slice %arg5[%add3A_88, %dma_wait3A_95] : memref<200704x32xf32, #tpu.memory_space<hbm>> -> memref<896x32xf32, #tpu.memory_space<hbm>>
      tpu.wait_dma2 semaphore(%run_scoped3A : memref<!tpu.dma_semaphore, #tpu.memory_space<semaphore_mem>>) src(%arg8 : memref<896x32xf32, #tpu.memory_space<vmem>>) dst(%dma_wait3A_96 : memref<896x32xf32, #tpu.memory_space<hbm>>)
      tpu.yield
    }) : () -> ()
    return
  }
}

module attributes {stable_mosaic.version = 14 : i64} {
  func.func @_matmul_relu(%arg0: i32, %arg1: memref<2000x32xf32, #tpu.memory_space<vmem>>, %arg2: memref<32x23xf32, #tpu.memory_space<vmem>>, %arg3: memref<2000x23xf32, #tpu.memory_space<vmem>>) attributes {dimension_semantics = [#tpu.dimension_semantics<arbitrary>], iteration_bounds = array<i64: 100>, scalar_prefetch = 0 : i64, scratch_operands = 0 : i64, tpu.core_type = #tpu.core_type<tc>, window_params = [{transform_indices = @transform_0, window_bounds = array<i64: 2000, 32>}, {pipeline_mode = #tpu.pipeline_mode<synchronous>, transform_indices = @transform_1, window_bounds = array<i64: 32, 23>}, {transform_indices = @transform_2, window_bounds = array<i64: 2000, 23>}]} {
    %get3A = arith.constant 0 : index
    %get3A_0 = arith.constant 0 : index
    %get3A_1 = vector.load %arg1[%get3A, %get3A_0] : memref<2000x32xf32, #tpu.memory_space<vmem>>, vector<2000x32xf32>
    %get3A_2 = arith.constant 0 : index
    %get3A_3 = arith.constant 0 : index
    %get3A_4 = vector.load %arg2[%get3A_2, %get3A_3] : memref<32x23xf32, #tpu.memory_space<vmem>>, vector<32x23xf32>
    %dot_general3A = arith.constant dense<0.000000e+00> : vector<2000x23xf32>
    %dot_general3A_5 = tpu.matmul %get3A_1, %get3A_4, %dot_general3A {dimension_numbers = #tpu.dot_dimension_numbers<[1], [0], [0], [1], [0, 0, 1, 1], [], []>, transpose_lhs_hint = false} : vector<2000x32xf32>, vector<32x23xf32>, vector<2000x23xf32> -> vector<2000x23xf32>
    %max3A = arith.constant 0.000000e+00 : f32
    %max3A_6 = vector.broadcast %max3A : f32 to vector<2000x23xf32>
    %max3A_7 = arith.maximumf %dot_general3A_5, %max3A_6 : vector<2000x23xf32>
    %swap3A = arith.constant 0 : index
    %swap3A_8 = arith.constant 0 : index
    %swap3A_9 = vector.load %arg3[%swap3A, %swap3A_8] : memref<2000x23xf32, #tpu.memory_space<vmem>>, vector<2000x23xf32>
    tpu.vector_store %arg3[%swap3A, %swap3A_8], %max3A_7 {strides = array<i32>} : memref<2000x23xf32, #tpu.memory_space<vmem>>, vector<2000x23xf32>,
    return
  }
  func.func @transform_0(%arg0: i32) -> (i32, i32) {
    %c0_i32 = arith.constant 0 : i32
    %c0_i32_0 = arith.constant 0 : i32
    return %arg0, %c0_i32 : i32, i32
  }
  func.func @transform_1(%arg0: i32) -> (i32, i32) {
    %c0_i32 = arith.constant 0 : i32
    %c0_i32_0 = arith.constant 0 : i32
    %c0_i32_1 = arith.constant 0 : i32
    return %c0_i32, %c0_i32_0 : i32, i32
  }
  func.func @transform_2(%arg0: i32) -> (i32, i32) {
    %c0_i32 = arith.constant 0 : i32
    %c0_i32_0 = arith.constant 0 : i32
    return %arg0, %c0_i32 : i32, i32
  }
}

</mosaic_0001>

<sc_bundles>
// kernel: kernel.12.cloned.1.call-start
scs
__scs_entry_jumppad:
0x0: {  	(pc) =	sbr.rel $0x88, $3  }
0x1: {  	(tag) =	ssettag $0x0;
	lr =	simm.s32 $0x1  }
0x2: {  	[smem:$0x3F9E] =	sst lr;
	_ =	strace $0xD0000000  }
0x3: {  	_ = 	snop  }
0x4: {  	_ = 	snop  }
0x5: {  	_ = 	snop  }
0x6: {  	_ = 	snop  }
0x7: {  	_ = 	snop  }
__scs_overlays_trampoline_lowered:
0x8: {  	[smem:$0x3FAD] =	sst s0  }
0x9: {  	[smem:$0x3FAE] =	sst s1  }
0xa: {  	[smem:$0x3FAF] =	sst s2  }
0xb: {  	[smem:$0x3FB0] =	sst s3  }
0xc: {  	[smem:$0x3FB1] =	sst s4  }
0xd: {  	[smem:$0x3FB2] =	sst s5  }
0xe: {  	[smem:$0x3FB3] =	sst s6  }
0xf: {  	[smem:$0x3FB4] =	sst s7  }
0x10: {  	[smem:$0x3FB5] =	sst s8  }
0x11: {  	[smem:$0x3FB6] =	sst s9;
	s0 =	simm.s32 @!p0 $0x0  }
0x12: {  	s1 =	sld [smem:$0x3F9C];
	s0 =	simm.s32 @p0 $0x1  }
0x13: {  	[smem:$0x3FB7] =	sst s0;
	s0 =	simm.s32 @!p1 $0x0  }
0x14: {  	s2 =	sld [smem:$0x3F9B];
	s0 =	simm.s32 @p1 $0x1  }
0x15: {  	[smem:$0x3FB8] =	sst s0;
	s0 =	simm.s32 @!p2 $0x0  }
0x16: {  	s3 =	sld [smem:$0x3FDB];
	s0 =	simm.s32 @p2 $0x1  }
0x17: {  	s4 =	simm.s32 $0x1BF5;
	[smem:$0x3FBA] =	sst s0  }
0x18: {  	s0 =	sld [smem:$0x3F9D];
	_ =	swait.ge [sflag:s4], $0x0  }
0x19: {  	s7 =	sld [smem:$0x3F9E]  }
0x1a: {  	s8 =	sadd.s32 $0xFFFFE003, lr  }
0x1b: {  	s9 =	sadd.s32 $0xFFFFFEF7, lr;
	s5 =	simm.s32 $0xFFFFFFFF;
	p2 =	slt.u32 s8, $0xFFFFF086  }
0x1c: {  	p1 =	slt.u32 s9, $0xF7A;
	s5 =	simm.s32 @!p2 $0x0  }
0x1d: {  	s5 =	simm.s32 @p1 $0x1;
	p0 =	seq.s32 s7, s2  }
0x1e: {  	s7 =	smul.u32 @!p0 $0xF7A, s2;
	p2 =	seq.s32 @!p0 s5, $0x0  }
0x1f: {  	s9 =	smul.u32 $0xF7A, s1;
	s8 =	simm.s32 @!p0 $0x1BF5;
	p2 =	por !p2, p0  }
0x20: {  	[sflag:s8] =	ssyncset.s32 @!p0 $0xFFFFF086;
	s6 =	sadd.s32 @!p0 s3, s7;
	s7 =	simm.s32 @!p0 $0x108  }
0x21: {  	s3 =	sadd.s32 s3, s9;
	s6 =	sadd.s32 @!p0 $0x88, s6;
	s7 =	simm.s32 @p2 $0x1082  }
0x22: {  	[simem:s7], [sflag:s8] =	dma.local @!p0 [hbm:s6], $0xF7A  }
0x23: {  	s9 =	sor.u32 $0xD0000000, s2;
	s6 =	simm.s32 $0x108;
	_ =	swait.ge @!p0 [sflag:s8], $0x0  }
0x24: {  	s3 =	sadd.s32 $0x88, s3;
	s6 =	simm.s32 @!p1 $0x1082;
	[sflag:s4] =	ssyncset.s32 $0xFFFFF086  }
0x25: {  	[simem:s6], [sflag:s4] =	dma.local [hbm:s3], $0xF7A  }
0x26: {  	[smem:$0x3F9E] =	sst s1;
	(tag) =	ssettag s2;
	_ =	strace s9  }
0x27: {  	s1 =	sld [smem:$0x3FAE]  }
0x28: {  	s2 =	sld [smem:$0x3FAF]  }
0x29: {  	s4 =	sld [smem:$0x3FB1]  }
0x2a: {  	p0 =	seq.s32 s5, $0x0;
	s5 =	sld [smem:$0x3FB2]  }
0x2b: {  	s6 =	sld [smem:$0x3FB3]  }
0x2c: {  	s7 =	sld [smem:$0x3FB4]  }
0x2d: {  	s3 =	simm.s32 $0x108;
	s8 =	sld [smem:$0x3FB5]  }
0x2e: {  	s3 =	simm.s32 @!p0 $0x1082;
	s9 =	sld [smem:$0x3FB6]  }
0x2f: {  	lr =	sadd.s32 s0, s3;
	s0 =	sld [smem:$0x3FAD]  }
0x30: {  	s3 =	sld [smem:$0x3FB0]  }
0x31: {  	[smem:$0x3FB9] =	sst s10  }
0x32: {  	s10 =	sld [smem:$0x3FB7];
	_ =	sdelay $0x3  }
0x33: {  	p0 =	seq.s32 s10, $0x1;
	s10 =	sld [smem:$0x3FB9];
	_ =	sdelay $0x3  }
0x34: {  	[smem:$0x3FB9] =	sst s10  }
0x35: {  	s10 =	sld [smem:$0x3FB8];
	_ =	sdelay $0x3  }
0x36: {  	p1 =	seq.s32 s10, $0x1;
	s10 =	sld [smem:$0x3FB9];
	_ =	sdelay $0x3  }
0x37: {  	[smem:$0x3FB9] =	sst s10  }
0x38: {  	s10 =	sld [smem:$0x3FBA]  }
0x39: {  	_ = 	snop;
	(pc) =	sbr.ind lr, $3  }
0x3a: {  	_ = 	snop  }
0x3b: {  	_ = 	snop  }
0x3c: {  	p2 =	seq.s32 s10, $0x1;
	s10 =	sld [smem:$0x3FB9]  }
0x3d: {  	_ =	shalt  }
0x3e: {  	_ =	shalt  }
0x3f: {  	_ =	shalt  }
0x40: {  	_ =	shalt  }
0x41: {  	_ =	shalt  }
0x42: {  	_ =	shalt  }
0x43: {  	_ =	shalt  }
0x44: {  	_ =	shalt  }
0x45: {  	_ =	shalt  }
0x46: {  	_ =	shalt  }
0x47: {  	_ =	shalt  }
0x48: {  	_ =	shalt  }
0x49: {  	_ =	shalt  }
0x4a: {  	_ =	shalt  }
0x4b: {  	_ =	shalt  }
0x4c: {  	_ =	shalt  }
0x4d: {  	_ =	shalt  }
0x4e: {  	_ =	shalt  }
0x4f: {  	_ =	shalt  }
0x50: {  	_ =	shalt  }
0x51: {  	_ =	shalt  }
0x52: {  	_ =	shalt  }
0x53: {  	_ =	shalt  }
0x54: {  	_ =	shalt  }
0x55: {  	_ =	shalt  }
0x56: {  	_ =	shalt  }
0x57: {  	_ =	shalt  }
0x58: {  	_ =	shalt  }
0x59: {  	_ =	shalt  }
0x5a: {  	_ =	shalt  }
0x5b: {  	_ =	shalt  }
0x5c: {  	_ =	shalt  }
0x5d: {  	_ =	shalt  }
0x5e: {  	_ =	shalt  }
0x5f: {  	_ =	shalt  }
0x60: {  	_ =	shalt  }
0x61: {  	_ =	shalt  }
0x62: {  	_ =	shalt  }
0x63: {  	_ =	shalt  }
0x64: {  	_ =	shalt  }
0x65: {  	_ =	shalt  }
0x66: {  	_ =	shalt  }
0x67: {  	_ =	shalt  }
0x68: {  	_ =	shalt  }
0x69: {  	_ =	shalt  }
0x6a: {  	_ =	shalt  }
0x6b: {  	_ =	shalt  }
0x6c: {  	_ =	shalt  }
0x6d: {  	_ =	shalt  }
0x6e: {  	_ =	shalt  }
0x6f: {  	_ =	shalt  }
0x70: {  	_ =	shalt  }
0x71: {  	_ =	shalt  }
0x72: {  	_ =	shalt  }
0x73: {  	_ =	shalt  }
0x74: {  	_ =	shalt  }
0x75: {  	_ =	shalt  }
0x76: {  	_ =	shalt  }
0x77: {  	_ =	shalt  }
0x78: {  	_ =	shalt  }
0x79: {  	_ =	shalt  }
0x7a: {  	_ =	shalt  }
0x7b: {  	_ =	shalt  }
0x7c: {  	_ =	shalt  }
0x7d: {  	_ =	shalt  }
0x7e: {  	_ =	shalt  }
0x7f: {  	_ =	shalt  }
0x80: {  	_ =	shalt  }
0x81: {  	_ =	shalt  }
0x82: {  	_ =	shalt  }
0x83: {  	_ =	shalt  }
0x84: {  	_ =	shalt  }
0x85: {  	_ =	shalt  }
0x86: {  	_ =	shalt  }
0x87: {  	_ =	shalt  }
.Lfunc_end0:
.L_simem_size_0:
called_computation.2_lowered:
.L_overlay_start_0:
0x88: {  	s2 =	sld [smem:$0x3FD9]  }
0x89: {  	s3 =	sld [smem:$0x3FFE];
	_ =	sdelay $0x1  }
0x8a: {  	s1 =	srdreg.scid  }
0x8b: {  	s0 =	sand.u32 $0x1, s1  }
0x8c: {  	s17 =	sshll.u32 s0, $0xA;
	s2 =	sadd.s32 s3, s2  }
0x8d: {  	s2 =	sadd.s32 s2, s17  }
0x8e: {  	[smem:$0x3FC5] =	sst s2  }
0x8f: {  	_ = 	snop  }
0x90: {  	s2 =	sld [smem:$0x3FD0];
	(tm) =	ssettm $0x1  }
0x91: {  	s18 =	sld [smem:$0x3FFB];
	_ =	sdelay $0x3  }
0x92: {  	_ =	strace s18  }
0x93: {  	s3 =	sld [smem:$0x3FFC];
	_ =	sdelay $0x3  }
0x94: {  	_ =	strace s3  }
0x95: {  	s3 =	sld [smem:$0x3FFD];
	_ =	sdelay $0x3  }
0x96: {  	_ =	strace s3  }
0x97: {  	_ =	strace $0x8FFFFFFF  }
0x98: {  	s19 =	sld [smem:$0x3FDB];
	_ =	sdelay $0x1  }
0x99: {  	s4 =	simm.s32 $_scs_section_size  }
0x9a: {  	s5 =	simm.s32 $_size__tile_overlayer_lowered;
	s6 =	simm.s32 $_tile_overlayer_lowered  }
0x9b: {  	s22 =	simm.s32 $0x1BFF;
	s21 =	sshll.u32 s6, $0x1;
	s3 =	sadd.s32 s4, s19  }
0x9c: {  	s7 =	simm.s32 $0x0;
	s20 =	sshll.u32 s5, $0x1;
	s5 =	sadd.s32 s21, s3  }
0x9d: {  	[timem:s7], [sflag:s22] =	dma.local [hbm:s5], s20  }
0x9e: {  	_ =	swait.ge [sflag:s22], s20  }
0x9f: {  	s4 =	ssub.s32 $0x0, s20;
	[sflag:s22] =	ssyncset.done $0x0  }
0xa0: {  	[sflag:s22] =	ssyncadd.s32 s4;
	_ =	sdelay $0x1  }
0xa1: {  	s23 =	simm.s32 $0x1B8B  }
0xa2: {  	_ =	swait.ge [sflag:s23], $0x1  }
0xa3: {  	[sflag:s23] =	ssyncset.done $0x0  }
0xa4: {  	s25 =	simm.s32 $0x1B8E;
	s24 =	sld [smem:$0x3FFE];
	[sflag:s23] =	ssyncadd.s32 $0xFFFFFFFF  }
0xa5: {  	s26 =	simm.s32 $execute0_lowered;
	[smem:$0x3FD2] =	sst s25  }
0xa6: {  	s5 =	sshll.u32 s26, $0x1;
	_ =	strace $0x8000004C;
	[dreg:$0x1] =	wrdreg $0xFFFFFFFF  }
0xa7: {  	s28 =	simm.s32 $_size_execute0_lowered;
	s3 =	sadd.s32 s3, s5;
	[dreg:$0x0] =	wrdreg $0x0  }
0xa8: {  	s5 =	sshll.u32 s28, $0x1;
	[dreg:$0x2] =	wrdreg s3  }
0xa9: {  	[dreg:$0x3] =	wrdreg s5  }
0xaa: {  	[dreg:$0x4] =	wrdreg $0xC0  }
0xab: {  	_ =	task [dreg:s7], $0x5FFFF  }
0xac: {  	[dreg:$0x1] =	wrdreg $0xFFFFFFFF  }
0xad: {  	[dreg:$0x0] =	wrdreg $0x60  }
0xae: {  	[dreg:$0x2] =	wrdreg s24  }
0xaf: {  	[dreg:$0x3] =	wrdreg s2  }
0xb0: {  	[dreg:$0x4] =	wrdreg $0x9  }
0xb1: {  	_ =	task.clear_ibuf [dreg:s7], $0x5FFFF;
	_ =	strace $0x9000004C  }
0xb2: {  	s29 =	simm.s32 $0x9;
	_ =	strace $0x8000004E  }
0xb3: {  	_ =	swait.ge [sflag:s29], $0x1  }
0xb4: {  	[sflag:s29] =	ssyncadd.s32 $0xFFFFFFFF  }
0xb5: {  	_ =	strace $0x9000004E  }
0xb6: {  	_ =	sfence  }
0xb7: {  	s30 =	sld [smem:$0x0];
	_ =	sdelay $0x2  }
0xb8: {  	s31 =	sshll.u32 s1, $0xD;
	s1 =	sshrl.u32 s1, $0x2  }
0xb9: {  	s3 =	sand.u32 $0x4000, s31;
	s1 =	sadd.s32 s1, s30  }
0xba: {  	s0 =	sor.u32 s3, s0;
	s1 =	sshll.u32 s1, $0x11  }
0xbb: {  	s0 =	sor.u32 s1, s0  }
0xbc: {  	s0 =	sadd.s32 $0x8F2B, s0  }
0xbd: {  	[sflag:s0] =	ssyncadd.remote.s32 $0x1  }
0xbe: {  	_ =	sfence.sel $0xFFFF  }
0xbf: {  	[dreg:$0x0] =	wrdreg $0xFFFFFFFF;
	(pc) =	sbr.abs _section_cstart, $3  }
0xc0: {  	[dreg:$0x1] =	wrdreg $0xFFFFFFFF  }
0xc1: {  	_ =	task.clear_ibuf [dreg:s7], $0x2FFFF;
	_ =	strace $0x9FFFFFFF  }
0xc2: {  	(tm) =	ssettm $0x7FFFFFFF  }
0xc3: {  	_ =	shalt  }
tec
execute0_lowered:
.L_overlay_start_1:
0x0: {  	(tag) =	ssettag $0x1  }
0x1: {  	s1 =	srdreg.scid;
	s0 =	stileid.u32  }
0x2: {  	s22 =	sand.u32 $0x1, s1;
	s30 =	sshll.u32 s0, $0x1  }
0x3: {  	s11 =	rddreg [dreg:$0x0];
	s12 =	sor.u32 s22, s30  }
0x4: {  	s2 =	rddreg [dreg:$0x1];
	s4 =	smul.u32 $0x310, s12  }
0x5: {  	s3 =	simm.s32 $0x0;
	s1 =	rddreg [dreg:$0x2]  }
0x6: {  	[smem:$0x7FF] =	sst s3;
	s4 =	sadd.s32 s4, s11  }
0x7: {  	_ =	strace $0x8000004D;
	s5 =	sadd.s32 $0x2A00, s4;
	s4 =	simm.s32 $0x2  }
0x8: {  	[tilespmem:s3], [sflag:$0x2] =	stream.linear.gather [hbm4b:s5+s3], $0x1880, $0x38;
	[tilespmem:$0xA100] =	vst v63  }
0x9: {  	_ =	swait.ge [sflag:s4], $0x1880  }
0xa: {  	[sflag:s4] =	ssyncset.done $0x0  }
0xb: {  	s6 =	simm.s32 $0x1880;
	s7 =	simm.s32 $0x1;
	[sflag:s4] =	ssyncadd.s32 $0xFFFFE780  }
0xc: {  	[tilespmem:s6], [sflag:$0x1] =	stream.indirect.gather [hbm4b:s2+s6], $0x1, s3, s6, $0xb8;
	[tilespmem:$0xA100] =	vst v63  }
0xd: {  	_ =	swait.ge [sflag:s7], $0x1880  }
0xe: {  	s9 =	simm.s32 $0x380;
	[sflag:s7] =	ssyncset.done $0x0  }
0xf: {  	s10 =	simm.s32 $0x3100;
	s8 =	sadd.s32 $0x316000, s11;
	[sflag:s7] =	ssyncadd.s32 $0xFFFFE780  }
0x10: {  	[tilespmem:s10], [sflag:$0x1] =	stream.indirect.gather [hbm4b:s8+s9], $0x20, s6, s9, $0xb8;
	[tilespmem:$0xA100] =	vst v63  }
0x11: {  	s13 =	smul.u32 $0x6200, s12;
	_ =	swait.ge [sflag:s7], $0x7000  }
0x12: {  	s14 =	sadd.s32 $0x8C00, s11;
	[sflag:s7] =	ssyncset.done $0x0  }
0x13: {  	s11 =	sadd.s32 s14, s13;
	[sflag:s7] =	ssyncadd.s32 $0xFFFF9000  }
0x14: {  	[hbm4b:s11+s3] =	stream.linear.scatter [tilespmem:s10], [sflag:$0x2], $0x7000, $0x38;
	[tilespmem:$0xA100] =	vst v63  }
0x15: {  	_ =	swait.ge [sflag:s4], $0x7000  }
0x16: {  	[sflag:s4] =	ssyncset.done $0x0  }
0x17: {  	s31 =	smul.u32 $0x31000, s12;
	s12 =	simm.s32 $0x1C00;
	[sflag:s4] =	ssyncadd.s32 $0xFFFF9000  }
0x18: {  	[tilespmem:s10], [sflag:$0x1] =	stream.indirect.gather [hbm4b:s8+s9], $0x20, s12, s9, $0xb8;
	[tilespmem:$0xA100] =	vst v63  }
0x19: {  	s13 =	sshrl.u32 s31, $0x3;
	_ =	swait.ge [sflag:s7], $0x7000  }
0x1a: {  	s23 =	sadd.s32 s14, s13;
	[sflag:s7] =	ssyncset.done $0x0  }
0x1b: {  	s13 =	sadd.s32 $0xE00, s23;
	[sflag:s7] =	ssyncadd.s32 $0xFFFF9000  }
0x1c: {  	[hbm4b:s13+s3] =	stream.linear.scatter [tilespmem:s10], [sflag:$0x2], $0x7000, $0x38;
	[tilespmem:$0xA100] =	vst v63  }
0x1d: {  	_ =	swait.ge [sflag:s4], $0x7000  }
0x1e: {  	[sflag:s4] =	ssyncset.done $0x0  }
0x1f: {  	s14 =	simm.s32 $0x1F80;
	[sflag:s4] =	ssyncadd.s32 $0xFFFF9000  }
0x20: {  	[tilespmem:s10], [sflag:$0x1] =	stream.indirect.gather [hbm4b:s8+s9], $0x20, s14, s9, $0xb8;
	[tilespmem:$0xA100] =	vst v63  }
0x21: {  	_ =	swait.ge [sflag:s7], $0x7000  }
0x22: {  	[sflag:s7] =	ssyncset.done $0x0  }
0x23: {  	s15 =	sadd.s32 $0x1C00, s23;
	[sflag:s7] =	ssyncadd.s32 $0xFFFF9000  }
0x24: {  	[hbm4b:s15+s3] =	stream.linear.scatter [tilespmem:s10], [sflag:$0x2], $0x7000, $0x38;
	[tilespmem:$0xA100] =	vst v63  }
0x25: {  	_ =	swait.ge [sflag:s4], $0x7000  }
0x26: {  	[sflag:s4] =	ssyncset.done $0x0  }
0x27: {  	s16 =	simm.s32 $0x2300;
	[sflag:s4] =	ssyncadd.s32 $0xFFFF9000  }
0x28: {  	[tilespmem:s10], [sflag:$0x1] =	stream.indirect.gather [hbm4b:s8+s9], $0x20, s16, s9, $0xb8;
	[tilespmem:$0xA100] =	vst v63  }
0x29: {  	_ =	swait.ge [sflag:s7], $0x7000  }
0x2a: {  	[sflag:s7] =	ssyncset.done $0x0  }
0x2b: {  	s17 =	sadd.s32 $0x2A00, s23;
	[sflag:s7] =	ssyncadd.s32 $0xFFFF9000  }
0x2c: {  	[hbm4b:s17+s3] =	stream.linear.scatter [tilespmem:s10], [sflag:$0x2], $0x7000, $0x38;
	[tilespmem:$0xA100] =	vst v63  }
0x2d: {  	_ =	swait.ge [sflag:s4], $0x7000  }
0x2e: {  	[sflag:s4] =	ssyncset.done $0x0  }
0x2f: {  	s18 =	simm.s32 $0x2680;
	[sflag:s4] =	ssyncadd.s32 $0xFFFF9000  }
0x30: {  	[tilespmem:s10], [sflag:$0x1] =	stream.indirect.gather [hbm4b:s8+s9], $0x20, s18, s9, $0xb8;
	[tilespmem:$0xA100] =	vst v63  }
0x31: {  	_ =	swait.ge [sflag:s7], $0x7000  }
0x32: {  	[sflag:s7] =	ssyncset.done $0x0  }
0x33: {  	s19 =	sadd.s32 $0x3800, s23;
	[sflag:s7] =	ssyncadd.s32 $0xFFFF9000  }
0x34: {  	[hbm4b:s19+s3] =	stream.linear.scatter [tilespmem:s10], [sflag:$0x2], $0x7000, $0x38;
	[tilespmem:$0xA100] =	vst v63  }
0x35: {  	_ =	swait.ge [sflag:s4], $0x7000  }
0x36: {  	[sflag:s4] =	ssyncset.done $0x0  }
0x37: {  	s20 =	simm.s32 $0x2A00;
	[sflag:s4] =	ssyncadd.s32 $0xFFFF9000  }
0x38: {  	[tilespmem:s10], [sflag:$0x1] =	stream.indirect.gather [hbm4b:s8+s9], $0x20, s20, s9, $0xb8;
	[tilespmem:$0xA100] =	vst v63  }
0x39: {  	_ =	swait.ge [sflag:s7], $0x7000  }
0x3a: {  	[sflag:s7] =	ssyncset.done $0x0  }
0x3b: {  	s24 =	ssub.s32 $0x2, s22;
	s21 =	sadd.s32 $0x4600, s23;
	[sflag:s7] =	ssyncadd.s32 $0xFFFF9000  }
0x3c: {  	[hbm4b:s21+s3] =	stream.linear.scatter [tilespmem:s10], [sflag:$0x2], $0x7000, $0x38;
	[tilespmem:$0xA100] =	vst v63  }
0x3d: {  	s25 =	sshrl.u32 s24, $0x1;
	_ =	swait.ge [sflag:s4], $0x7000  }
0x3e: {  	s24 =	ssub.s32 s24, s25;
	[sflag:s4] =	ssyncset.done $0x0  }
0x3f: {  	s22 =	simm.s32 $0x2D80;
	s24 =	smax.u32 s24, $0x1;
	[sflag:s4] =	ssyncadd.s32 $0xFFFF9000  }
0x40: {  	[tilespmem:s10], [sflag:$0x1] =	stream.indirect.gather [hbm4b:s8+s9], $0x20, s22, s9, $0xb8;
	[tilespmem:$0xA100] =	vst v63  }
0x41: {  	p0 =	sne.s32 s24, $0x1;
	_ =	swait.ge [sflag:s7], $0x7000  }
.Ltmp0:
0x42: {  	[sflag:s7] =	ssyncset.done $0x0;
	(pc) =	sbr.rel @!p0 .LBB2_2-.Ltmp0, $4  }
0x43: {  	s23 =	sadd.s32 $0x5400, s23;
	[sflag:s7] =	ssyncadd.s32 $0xFFFF9000  }
0x44: {  	[hbm4b:s23+s3] =	stream.linear.scatter [tilespmem:s10], [sflag:$0x2], $0x7000, $0x38;
	[tilespmem:$0xA100] =	vst v63  }
0x45: {  	_ =	swait.ge [sflag:s4], $0x7000  }
0x46: {  	s24 =	sadd.s32 $0xFFFFFFFF, s24;
	[sflag:s4] =	ssyncset.done $0x0  }
.LBB2_1:
0x47: {  	p0 =	sne.s32 s24, $0x1;
	s24 =	sadd.s32 $0xFFFFFFFF, s24;
	[sflag:s4] =	ssyncadd.s32 $0xFFFF9000  }
0x48: {  	[tilespmem:s3], [sflag:$0x2] =	stream.linear.gather [hbm4b:s5+s3], $0x1880, $0x38;
	[tilespmem:$0xA100] =	vst v63  }
0x49: {  	_ =	swait.ge [sflag:s4], $0x1880  }
0x4a: {  	[sflag:s4] =	ssyncset.done $0x0  }
0x4b: {  	[sflag:s4] =	ssyncadd.s32 $0xFFFFE780  }
0x4c: {  	[tilespmem:s6], [sflag:$0x1] =	stream.indirect.gather [hbm4b:s2+s6], $0x1, s3, s6, $0xb8;
	[tilespmem:$0xA100] =	vst v63  }
0x4d: {  	_ =	swait.ge [sflag:s7], $0x1880  }
0x4e: {  	[sflag:s7] =	ssyncset.done $0x0  }
0x4f: {  	[sflag:s7] =	ssyncadd.s32 $0xFFFFE780  }
0x50: {  	[tilespmem:s10], [sflag:$0x1] =	stream.indirect.gather [hbm4b:s8+s9], $0x20, s6, s9, $0xb8;
	[tilespmem:$0xA100] =	vst v63  }
0x51: {  	_ =	swait.ge [sflag:s7], $0x7000  }
0x52: {  	[sflag:s7] =	ssyncset.done $0x0  }
0x53: {  	[sflag:s7] =	ssyncadd.s32 $0xFFFF9000  }
0x54: {  	[hbm4b:s11+s3] =	stream.linear.scatter [tilespmem:s10], [sflag:$0x2], $0x7000, $0x38;
	[tilespmem:$0xA100] =	vst v63  }
0x55: {  	_ =	swait.ge [sflag:s4], $0x7000  }
0x56: {  	[sflag:s4] =	ssyncset.done $0x0  }
0x57: {  	[sflag:s4] =	ssyncadd.s32 $0xFFFF9000  }
0x58: {  	[tilespmem:s10], [sflag:$0x1] =	stream.indirect.gather [hbm4b:s8+s9], $0x20, s12, s9, $0xb8;
	[tilespmem:$0xA100] =	vst v63  }
0x59: {  	_ =	swait.ge [sflag:s7], $0x7000  }
0x5a: {  	[sflag:s7] =	ssyncset.done $0x0  }
0x5b: {  	[sflag:s7] =	ssyncadd.s32 $0xFFFF9000  }
0x5c: {  	[hbm4b:s13+s3] =	stream.linear.scatter [tilespmem:s10], [sflag:$0x2], $0x7000, $0x38;
	[tilespmem:$0xA100] =	vst v63  }
0x5d: {  	_ =	swait.ge [sflag:s4], $0x7000  }
0x5e: {  	[sflag:s4] =	ssyncset.done $0x0  }
0x5f: {  	[sflag:s4] =	ssyncadd.s32 $0xFFFF9000  }
0x60: {  	[tilespmem:s10], [sflag:$0x1] =	stream.indirect.gather [hbm4b:s8+s9], $0x20, s14, s9, $0xb8;
	[tilespmem:$0xA100] =	vst v63  }
0x61: {  	_ =	swait.ge [sflag:s7], $0x7000  }
0x62: {  	[sflag:s7] =	ssyncset.done $0x0  }
0x63: {  	[sflag:s7] =	ssyncadd.s32 $0xFFFF9000  }
0x64: {  	[hbm4b:s15+s3] =	stream.linear.scatter [tilespmem:s10], [sflag:$0x2], $0x7000, $0x38;
	[tilespmem:$0xA100] =	vst v63  }
0x65: {  	_ =	swait.ge [sflag:s4], $0x7000  }
0x66: {  	[sflag:s4] =	ssyncset.done $0x0  }
0x67: {  	[sflag:s4] =	ssyncadd.s32 $0xFFFF9000  }
0x68: {  	[tilespmem:s10], [sflag:$0x1] =	stream.indirect.gather [hbm4b:s8+s9], $0x20, s16, s9, $0xb8;
	[tilespmem:$0xA100] =	vst v63  }
0x69: {  	_ =	swait.ge [sflag:s7], $0x7000  }
0x6a: {  	[sflag:s7] =	ssyncset.done $0x0  }
0x6b: {  	[sflag:s7] =	ssyncadd.s32 $0xFFFF9000  }
0x6c: {  	[hbm4b:s17+s3] =	stream.linear.scatter [tilespmem:s10], [sflag:$0x2], $0x7000, $0x38;
	[tilespmem:$0xA100] =	vst v63  }
0x6d: {  	_ =	swait.ge [sflag:s4], $0x7000  }
0x6e: {  	[sflag:s4] =	ssyncset.done $0x0  }
0x6f: {  	[sflag:s4] =	ssyncadd.s32 $0xFFFF9000  }
0x70: {  	[tilespmem:s10], [sflag:$0x1] =	stream.indirect.gather [hbm4b:s8+s9], $0x20, s18, s9, $0xb8;
	[tilespmem:$0xA100] =	vst v63  }
0x71: {  	_ =	swait.ge [sflag:s7], $0x7000  }
0x72: {  	[sflag:s7] =	ssyncset.done $0x0  }
0x73: {  	[sflag:s7] =	ssyncadd.s32 $0xFFFF9000  }
0x74: {  	[hbm4b:s19+s3] =	stream.linear.scatter [tilespmem:s10], [sflag:$0x2], $0x7000, $0x38;
	[tilespmem:$0xA100] =	vst v63  }
0x75: {  	_ =	swait.ge [sflag:s4], $0x7000  }
0x76: {  	[sflag:s4] =	ssyncset.done $0x0  }
0x77: {  	[sflag:s4] =	ssyncadd.s32 $0xFFFF9000  }
0x78: {  	[tilespmem:s10], [sflag:$0x1] =	stream.indirect.gather [hbm4b:s8+s9], $0x20, s20, s9, $0xb8;
	[tilespmem:$0xA100] =	vst v63  }
0x79: {  	_ =	swait.ge [sflag:s7], $0x7000  }
0x7a: {  	[sflag:s7] =	ssyncset.done $0x0  }
0x7b: {  	[sflag:s7] =	ssyncadd.s32 $0xFFFF9000  }
0x7c: {  	[hbm4b:s21+s3] =	stream.linear.scatter [tilespmem:s10], [sflag:$0x2], $0x7000, $0x38;
	[tilespmem:$0xA100] =	vst v63  }
0x7d: {  	_ =	swait.ge [sflag:s4], $0x7000  }
0x7e: {  	[sflag:s4] =	ssyncset.done $0x0  }
0x7f: {  	[sflag:s4] =	ssyncadd.s32 $0xFFFF9000  }
0x80: {  	[tilespmem:s10], [sflag:$0x1] =	stream.indirect.gather [hbm4b:s8+s9], $0x20, s22, s9, $0xb8;
	[tilespmem:$0xA100] =	vst v63  }
0x81: {  	_ =	swait.ge [sflag:s7], $0x7000  }
.Ltmp1:
0x82: {  	[sflag:s7] =	ssyncset.done $0x0;
	(pc) =	sbr.rel @p0 .LBB2_1-.Ltmp1, $4  }
0x83: {  	[sflag:s7] =	ssyncadd.s32 $0xFFFF9000  }
0x84: {  	[hbm4b:s23+s3] =	stream.linear.scatter [tilespmem:s10], [sflag:$0x2], $0x7000, $0x38;
	[tilespmem:$0xA100] =	vst v63  }
0x85: {  	_ =	swait.ge [sflag:s4], $0x7000  }
0x86: {  	[sflag:s4] =	ssyncset.done $0x0  }
.LBB2_2:
0x87: {  	[sflag:s4] =	ssyncadd.s32 $0xFFFF9000  }
0x88: {  	_ =	sfence.sel $0x180000  }
0x89: {  	[bflag:$0x0] =	sbarrier.arrive $0xFFFF  }
0x8a: {  	p0 =	sne.s32 s0, $0x0;
	_ =	strace $0x9000004D  }
0x8b: {  	s0 =	sadd.s32 @!p0 $0x100000, s1;
	[bflag:$0x2] =	sbarrier.arrive $0xFFFF  }
0x8c: {  	[sflag:s0] =	ssyncadd.tile.s32 @!p0 $0x1;
	_ =	shalt  }
.Lfunc_end2:
_tile_overlayer_lowered:
.L_overlay_start_2:
0x8d: {  	(tag) =	ssettag $0x2  }
0x8e: {  	s0 =	rddreg [dreg:$0x0];
	s2 =	stileid.u32  }
0x8f: {  	s1 =	rddreg [dreg:$0x1];
	p0 =	sne.s32 s2, $0x0  }
0x90: {  	s3 =	rddreg [dreg:$0x2];
	[bflag:$0x3] =	sbarrier.arrive $0xFFFF;
	s2 =	simm.s32 @!p0 $0x1C02  }
0x91: {  	[timem:s3], [sflag:s2] =	dma.local @!p0 [hbm:s0], s1  }
0x92: {  	s0 =	simm.s32 @!p0 $0x2  }
0x93: {  	_ =	swait.ge @!p0 [sflag:s0], s1  }
0x94: {  	s1 =	ssub.s32 @!p0 $0x0, s1;
	[sflag:s0] =	ssyncset.done @!p0 $0x0  }
0x95: {  	[sflag:s0] =	ssyncadd.s32 @!p0 s1  }
0x96: {  	[bflag:$0x3] =	sbarrier.arrive $0xFFFF  }
0x97: {  	_ =	shalt  }

// kernel: kernel.6.cloned.1.call-start
scs
__scs_entry_jumppad:
0x0: {  	(pc) =	sbr.rel $0x88, $3  }
0x1: {  	(tag) =	ssettag $0x0;
	lr =	simm.s32 $0x1  }
0x2: {  	[smem:$0x3F9E] =	sst lr;
	_ =	strace $0xD0000000  }
0x3: {  	_ = 	snop  }
0x4: {  	_ = 	snop  }
0x5: {  	_ = 	snop  }
0x6: {  	_ = 	snop  }
0x7: {  	_ = 	snop  }
__scs_overlays_trampoline_lowered:
0x8: {  	[smem:$0x3FAD] =	sst s0  }
0x9: {  	[smem:$0x3FAE] =	sst s1  }
0xa: {  	[smem:$0x3FAF] =	sst s2  }
0xb: {  	[smem:$0x3FB0] =	sst s3  }
0xc: {  	[smem:$0x3FB1] =	sst s4  }
0xd: {  	[smem:$0x3FB2] =	sst s5  }
0xe: {  	[smem:$0x3FB3] =	sst s6  }
0xf: {  	[smem:$0x3FB4] =	sst s7  }
0x10: {  	[smem:$0x3FB5] =	sst s8  }
0x11: {  	[smem:$0x3FB6] =	sst s9;
	s0 =	simm.s32 @!p0 $0x0  }
0x12: {  	s1 =	sld [smem:$0x3F9C];
	s0 =	simm.s32 @p0 $0x1  }
0x13: {  	[smem:$0x3FB7] =	sst s0;
	s0 =	simm.s32 @!p1 $0x0  }
0x14: {  	s2 =	sld [smem:$0x3F9B];
	s0 =	simm.s32 @p1 $0x1  }
0x15: {  	[smem:$0x3FB8] =	sst s0;
	s0 =	simm.s32 @!p2 $0x0  }
0x16: {  	s3 =	sld [smem:$0x3FDB];
	s0 =	simm.s32 @p2 $0x1  }
0x17: {  	s4 =	simm.s32 $0x1BF5;
	[smem:$0x3FBA] =	sst s0  }
0x18: {  	s0 =	sld [smem:$0x3F9D];
	_ =	swait.ge [sflag:s4], $0x0  }
0x19: {  	s7 =	sld [smem:$0x3F9E]  }
0x1a: {  	s8 =	sadd.s32 $0xFFFFE003, lr  }
0x1b: {  	s9 =	sadd.s32 $0xFFFFFEF7, lr;
	s5 =	simm.s32 $0xFFFFFFFF;
	p2 =	slt.u32 s8, $0xFFFFF086  }
0x1c: {  	p1 =	slt.u32 s9, $0xF7A;
	s5 =	simm.s32 @!p2 $0x0  }
0x1d: {  	s5 =	simm.s32 @p1 $0x1;
	p0 =	seq.s32 s7, s2  }
0x1e: {  	s7 =	smul.u32 @!p0 $0xF7A, s2;
	p2 =	seq.s32 @!p0 s5, $0x0  }
0x1f: {  	s9 =	smul.u32 $0xF7A, s1;
	s8 =	simm.s32 @!p0 $0x1BF5;
	p2 =	por !p2, p0  }
0x20: {  	[sflag:s8] =	ssyncset.s32 @!p0 $0xFFFFF086;
	s6 =	sadd.s32 @!p0 s3, s7;
	s7 =	simm.s32 @!p0 $0x108  }
0x21: {  	s3 =	sadd.s32 s3, s9;
	s6 =	sadd.s32 @!p0 $0x88, s6;
	s7 =	simm.s32 @p2 $0x1082  }
0x22: {  	[simem:s7], [sflag:s8] =	dma.local @!p0 [hbm:s6], $0xF7A  }
0x23: {  	s9 =	sor.u32 $0xD0000000, s2;
	s6 =	simm.s32 $0x108;
	_ =	swait.ge @!p0 [sflag:s8], $0x0  }
0x24: {  	s3 =	sadd.s32 $0x88, s3;
	s6 =	simm.s32 @!p1 $0x1082;
	[sflag:s4] =	ssyncset.s32 $0xFFFFF086  }
0x25: {  	[simem:s6], [sflag:s4] =	dma.local [hbm:s3], $0xF7A  }
0x26: {  	[smem:$0x3F9E] =	sst s1;
	(tag) =	ssettag s2;
	_ =	strace s9  }
0x27: {  	s1 =	sld [smem:$0x3FAE]  }
0x28: {  	s2 =	sld [smem:$0x3FAF]  }
0x29: {  	s4 =	sld [smem:$0x3FB1]  }
0x2a: {  	p0 =	seq.s32 s5, $0x0;
	s5 =	sld [smem:$0x3FB2]  }
0x2b: {  	s6 =	sld [smem:$0x3FB3]  }
0x2c: {  	s7 =	sld [smem:$0x3FB4]  }
0x2d: {  	s3 =	simm.s32 $0x108;
	s8 =	sld [smem:$0x3FB5]  }
0x2e: {  	s3 =	simm.s32 @!p0 $0x1082;
	s9 =	sld [smem:$0x3FB6]  }
0x2f: {  	lr =	sadd.s32 s0, s3;
	s0 =	sld [smem:$0x3FAD]  }
0x30: {  	s3 =	sld [smem:$0x3FB0]  }
0x31: {  	[smem:$0x3FB9] =	sst s10  }
0x32: {  	s10 =	sld [smem:$0x3FB7];
	_ =	sdelay $0x3  }
0x33: {  	p0 =	seq.s32 s10, $0x1;
	s10 =	sld [smem:$0x3FB9];
	_ =	sdelay $0x3  }
0x34: {  	[smem:$0x3FB9] =	sst s10  }
0x35: {  	s10 =	sld [smem:$0x3FB8];
	_ =	sdelay $0x3  }
0x36: {  	p1 =	seq.s32 s10, $0x1;
	s10 =	sld [smem:$0x3FB9];
	_ =	sdelay $0x3  }
0x37: {  	[smem:$0x3FB9] =	sst s10  }
0x38: {  	s10 =	sld [smem:$0x3FBA]  }
0x39: {  	_ = 	snop;
	(pc) =	sbr.ind lr, $3  }
0x3a: {  	_ = 	snop  }
0x3b: {  	_ = 	snop  }
0x3c: {  	p2 =	seq.s32 s10, $0x1;
	s10 =	sld [smem:$0x3FB9]  }
0x3d: {  	_ =	shalt  }
0x3e: {  	_ =	shalt  }
0x3f: {  	_ =	shalt  }
0x40: {  	_ =	shalt  }
0x41: {  	_ =	shalt  }
0x42: {  	_ =	shalt  }
0x43: {  	_ =	shalt  }
0x44: {  	_ =	shalt  }
0x45: {  	_ =	shalt  }
0x46: {  	_ =	shalt  }
0x47: {  	_ =	shalt  }
0x48: {  	_ =	shalt  }
0x49: {  	_ =	shalt  }
0x4a: {  	_ =	shalt  }
0x4b: {  	_ =	shalt  }
0x4c: {  	_ =	shalt  }
0x4d: {  	_ =	shalt  }
0x4e: {  	_ =	shalt  }
0x4f: {  	_ =	shalt  }
0x50: {  	_ =	shalt  }
0x51: {  	_ =	shalt  }
0x52: {  	_ =	shalt  }
0x53: {  	_ =	shalt  }
0x54: {  	_ =	shalt  }
0x55: {  	_ =	shalt  }
0x56: {  	_ =	shalt  }
0x57: {  	_ =	shalt  }
0x58: {  	_ =	shalt  }
0x59: {  	_ =	shalt  }
0x5a: {  	_ =	shalt  }
0x5b: {  	_ =	shalt  }
0x5c: {  	_ =	shalt  }
0x5d: {  	_ =	shalt  }
0x5e: {  	_ =	shalt  }
0x5f: {  	_ =	shalt  }
0x60: {  	_ =	shalt  }
0x61: {  	_ =	shalt  }
0x62: {  	_ =	shalt  }
0x63: {  	_ =	shalt  }
0x64: {  	_ =	shalt  }
0x65: {  	_ =	shalt  }
0x66: {  	_ =	shalt  }
0x67: {  	_ =	shalt  }
0x68: {  	_ =	shalt  }
0x69: {  	_ =	shalt  }
0x6a: {  	_ =	shalt  }
0x6b: {  	_ =	shalt  }
0x6c: {  	_ =	shalt  }
0x6d: {  	_ =	shalt  }
0x6e: {  	_ =	shalt  }
0x6f: {  	_ =	shalt  }
0x70: {  	_ =	shalt  }
0x71: {  	_ =	shalt  }
0x72: {  	_ =	shalt  }
0x73: {  	_ =	shalt  }
0x74: {  	_ =	shalt  }
0x75: {  	_ =	shalt  }
0x76: {  	_ =	shalt  }
0x77: {  	_ =	shalt  }
0x78: {  	_ =	shalt  }
0x79: {  	_ =	shalt  }
0x7a: {  	_ =	shalt  }
0x7b: {  	_ =	shalt  }
0x7c: {  	_ =	shalt  }
0x7d: {  	_ =	shalt  }
0x7e: {  	_ =	shalt  }
0x7f: {  	_ =	shalt  }
0x80: {  	_ =	shalt  }
0x81: {  	_ =	shalt  }
0x82: {  	_ =	shalt  }
0x83: {  	_ =	shalt  }
0x84: {  	_ =	shalt  }
0x85: {  	_ =	shalt  }
0x86: {  	_ =	shalt  }
0x87: {  	_ =	shalt  }
.Lfunc_end0:
.L_simem_size_0:
called_computation_lowered:
.L_overlay_start_0:
0x88: {  	s2 =	sld [smem:$0x3FD9]  }
0x89: {  	s3 =	sld [smem:$0x3FFE];
	_ =	sdelay $0x1  }
0x8a: {  	s1 =	srdreg.scid  }
0x8b: {  	s0 =	sand.u32 $0x1, s1  }
0x8c: {  	s17 =	sshll.u32 s0, $0xA;
	s2 =	sadd.s32 s3, s2  }
0x8d: {  	s2 =	sadd.s32 s2, s17  }
0x8e: {  	[smem:$0x3FC5] =	sst s2  }
0x8f: {  	_ = 	snop  }
0x90: {  	s2 =	sld [smem:$0x3FD0];
	(tm) =	ssettm $0x1  }
0x91: {  	s18 =	sld [smem:$0x3FFB];
	_ =	sdelay $0x3  }
0x92: {  	_ =	strace s18  }
0x93: {  	s3 =	sld [smem:$0x3FFC];
	_ =	sdelay $0x3  }
0x94: {  	_ =	strace s3  }
0x95: {  	s3 =	sld [smem:$0x3FFD];
	_ =	sdelay $0x3  }
0x96: {  	_ =	strace s3  }
0x97: {  	_ =	strace $0x8FFFFFFF  }
0x98: {  	s19 =	sld [smem:$0x3FDB];
	_ =	sdelay $0x1  }
0x99: {  	s4 =	simm.s32 $_scs_section_size  }
0x9a: {  	s5 =	simm.s32 $_size__tile_overlayer_lowered;
	s6 =	simm.s32 $_tile_overlayer_lowered  }
0x9b: {  	s22 =	simm.s32 $0x1BFF;
	s21 =	sshll.u32 s6, $0x1;
	s3 =	sadd.s32 s4, s19  }
0x9c: {  	s7 =	simm.s32 $0x0;
	s20 =	sshll.u32 s5, $0x1;
	s5 =	sadd.s32 s21, s3  }
0x9d: {  	[timem:s7], [sflag:s22] =	dma.local [hbm:s5], s20  }
0x9e: {  	_ =	swait.ge [sflag:s22], s20  }
0x9f: {  	s4 =	ssub.s32 $0x0, s20;
	[sflag:s22] =	ssyncset.done $0x0  }
0xa0: {  	[sflag:s22] =	ssyncadd.s32 s4;
	_ =	sdelay $0x1  }
0xa1: {  	s23 =	simm.s32 $0x1B8B  }
0xa2: {  	_ =	swait.ge [sflag:s23], $0x1  }
0xa3: {  	[sflag:s23] =	ssyncset.done $0x0  }
0xa4: {  	s25 =	simm.s32 $0x1B8E;
	s24 =	sld [smem:$0x3FFE];
	[sflag:s23] =	ssyncadd.s32 $0xFFFFFFFF  }
0xa5: {  	s26 =	simm.s32 $execute0_lowered;
	[smem:$0x3FD2] =	sst s25  }
0xa6: {  	s5 =	sshll.u32 s26, $0x1;
	_ =	strace $0x80000046;
	[dreg:$0x1] =	wrdreg $0xFFFFFFFF  }
0xa7: {  	s28 =	simm.s32 $_size_execute0_lowered;
	s3 =	sadd.s32 s3, s5;
	[dreg:$0x0] =	wrdreg $0x0  }
0xa8: {  	s5 =	sshll.u32 s28, $0x1;
	[dreg:$0x2] =	wrdreg s3  }
0xa9: {  	[dreg:$0x3] =	wrdreg s5  }
0xaa: {  	[dreg:$0x4] =	wrdreg $0xC0  }
0xab: {  	_ =	task [dreg:s7], $0x5FFFF  }
0xac: {  	[dreg:$0x1] =	wrdreg $0xFFFFFFFF  }
0xad: {  	[dreg:$0x0] =	wrdreg $0x60  }
0xae: {  	[dreg:$0x2] =	wrdreg s2  }
0xaf: {  	[dreg:$0x3] =	wrdreg s24  }
0xb0: {  	[dreg:$0x4] =	wrdreg $0x9  }
0xb1: {  	_ =	task.clear_ibuf [dreg:s7], $0x5FFFF;
	_ =	strace $0x90000046  }
0xb2: {  	s29 =	simm.s32 $0x9;
	_ =	strace $0x80000048  }
0xb3: {  	_ =	swait.ge [sflag:s29], $0x1  }
0xb4: {  	[sflag:s29] =	ssyncadd.s32 $0xFFFFFFFF  }
0xb5: {  	_ =	strace $0x90000048  }
0xb6: {  	_ =	sfence  }
0xb7: {  	s30 =	sld [smem:$0x0];
	_ =	sdelay $0x2  }
0xb8: {  	s31 =	sshll.u32 s1, $0xD;
	s1 =	sshrl.u32 s1, $0x2  }
0xb9: {  	s3 =	sand.u32 $0x4000, s31;
	s1 =	sadd.s32 s1, s30  }
0xba: {  	s0 =	sor.u32 s3, s0;
	s1 =	sshll.u32 s1, $0x11  }
0xbb: {  	s0 =	sor.u32 s1, s0  }
0xbc: {  	s0 =	sadd.s32 $0x8F2B, s0  }
0xbd: {  	[sflag:s0] =	ssyncadd.remote.s32 $0x1  }
0xbe: {  	_ =	sfence.sel $0xFFFF  }
0xbf: {  	[dreg:$0x0] =	wrdreg $0xFFFFFFFF;
	(pc) =	sbr.abs _section_cstart, $3  }
0xc0: {  	[dreg:$0x1] =	wrdreg $0xFFFFFFFF  }
0xc1: {  	_ =	task.clear_ibuf [dreg:s7], $0x2FFFF;
	_ =	strace $0x9FFFFFFF  }
0xc2: {  	(tm) =	ssettm $0x7FFFFFFF  }
0xc3: {  	_ =	shalt  }
tec
execute0_lowered:
.L_overlay_start_1:
0x0: {  	(tag) =	ssettag $0x1  }
0x1: {  	s3 =	rddreg [dreg:$0x0]  }
0x2: {  	s1 =	srdreg.scid;
	s0 =	stileid.u32  }
0x3: {  	s4 =	rddreg [dreg:$0x1];
	s5 =	sand.u32 $0x1, s1;
	s2 =	sshll.u32 s0, $0x1  }
0x4: {  	s1 =	rddreg [dreg:$0x2];
	s6 =	sor.u32 s5, s2  }
0x5: {  	s2 =	simm.s32 $0x0;
	s5 =	ssub.s32 $0x2, s5;
	s7 =	smul.u32 $0x310, s6  }
0x6: {  	v0 =	vlaneseq.u32;
	[smem:$0x7FF] =	sst s2;
	s8 =	sshrl.u32 s5, $0x1;
	s6 =	smul.u32 $0x930, s6  }
0x7: {  	v0 =	vmul.u32 $0x3, v0;
	_ =	strace $0x80000047;
	s5 =	ssub.s32 s5, s8;
	s8 =	simm.s32 $0x0  }
0x8: {  	s4 =	sadd.s32 s7, s4;
	s3 =	sadd.s32 s3, s6;
	s5 =	smax.u32 s5, $0x1  }
0x9: {  	v1 =	vadd.s32 $0x1, v0;
	v2 =	vadd.s32 $0x2, v0;
	s6 =	simm.s32 $0x1;
	s7 =	simm.s32 $0x4980;
	s4 =	sadd.s32 $0x2A00, s4  }
.LBB2_1:
0xa: {  	s9 =	simm.s32 $0x60  }
0xb: {  	v3 =	vmov s9  }
0xc: {  	s19 =	simm.s32 $0x0;
	v3 =	vmul.u32 $0x3, v3  }
0xd: {  	s20 =	simm.s32 $0x10;
	v4 =	vmov s19  }
0xe: {  	[tilespmem:s2], [sflag:$0x1] =	stream.linear.gather [hbm4b:s3+s2], $0x4980, $0x38;
	v4 =	vmul.u32 $0x3, v4;
	v3 =	vbroadcast v3, $0x0;
	[tilespmem:$0x6200] =	vst v63  }
0xf: {  	s21 =	simm.s32 $0x20;
	v5 =	vmov s20  }
0x10: {  	s22 =	simm.s32 $0x70;
	v8 =	vmov s21;
	v4 =	vbroadcast v4, $0x0;
	v6 =	vadd.s32 v0, v3  }
0x11: {  	s10 =	simm.s32 $0x30;
	s23 =	simm.s32 $0x40;
	v11 =	vmov s22;
	v5 =	vmul.u32 $0x3, v5;
	v7 =	vadd.s32 v1, v3  }
0x12: {  	_ =	swait.ge [sflag:s6], $0x4980;
	v12 =	vmov s10;
	v14 =	vmov s23;
	v9 =	vor.u32 v0, v4  }
0x13: {  	s24 =	simm.s32 $0x50;
	s29 =	simm.s32 $0xC0;
	[sflag:s6] =	ssyncset.done $0x0;
	v8 =	vmul.u32 $0x3, v8;
	v5 =	vbroadcast v5, $0x0;
	v10 =	vor.u32 v1, v4  }
0x14: {  	v15 =	vmov s24;
	v27 =	vmov s29;
	[sflag:s6] =	ssyncadd.s32 $0xFFFFB680;
	v3 =	vadd.s32 v2, v3  }
0x15: {  	s30 =	simm.s32 $0x80;
	s31 =	simm.s32 $0xD0;
	v12 =	vmul.u32 $0x3, v12;
	v8 =	vbroadcast v8, $0x0;
	v13 =	vadd.s32 v0, v5;
	v6 =	vld.idx.msk [tilespmem:v6+s2+$0x0], $0xffff  }
0x16: {  	v28 =	vmov s30;
	v29 =	vmov s31;
	v16 =	vadd.s32 v1, v5;
	v7 =	vld.idx.msk [tilespmem:v7+s2+$0x0], $0xffff  }
0x17: {  	v14 =	vmul.u32 $0x3, v14;
	v12 =	vbroadcast v12, $0x0;
	v17 =	vadd.s32 v0, v8;
	v9 =	vld.idx.msk [tilespmem:v9+s2+$0x0], $0xffff  }
0x18: {  	v15 =	vmul.u32 $0x3, v15;
	v11 =	vmul.u32 $0x3, v11;
	v18 =	vadd.s32 v1, v8;
	v10 =	vld.idx.msk [tilespmem:v10+s2+$0x0], $0xffff  }
0x19: {  	v27 =	vmul.u32 $0x3, v27;
	v58 =	vmul.u32 $0x3, v29;
	v19 =	vadd.s32 v0, v12;
	v3 =	vld.idx.msk [tilespmem:v3+s2+$0x0], $0xffff  }
0x1a: {  	v14 =	vbroadcast v14, $0x0;
	v11 =	vbroadcast v11, $0x0;
	v4 =	vor.u32 v2, v4;
	v13 =	vld.idx.msk [tilespmem:v13+s2+$0x0], $0xffff  }
0x1b: {  	v15 =	vbroadcast v15, $0x0;
	v27 =	vbroadcast v27, $0x0;
	v20 =	vadd.s32 v1, v12;
	v16 =	vld.idx.msk [tilespmem:v16+s2+$0x0], $0xffff  }
0x1c: {  	v21 =	vor.u32 v0, v14;
	v22 =	vor.u32 v1, v14;
	v26 =	vadd.s32 v1, v11;
	v17 =	vld.idx.msk [tilespmem:v17+s2+$0x0], $0xffff  }
0x1d: {  	v23 =	vadd.s32 v0, v15;
	v24 =	vadd.s32 v1, v15;
	v5 =	vadd.s32 v2, v5;
	v18 =	vld.idx.msk [tilespmem:v18+s2+$0x0], $0xffff  }
0x1e: {  	v25 =	vadd.s32 v0, v11;
	v8 =	vadd.s32 v2, v8;
	v14 =	vor.u32 v2, v14;
	v19 =	vld.idx.msk [tilespmem:v19+s2+$0x0], $0xffff  }
0x1f: {  	v12 =	vadd.s32 v2, v12;
	v30 =	vld.idx.msk [tilespmem:v4+s2+$0x0], $0xffff;
	v4 =	vmul.u32 $0x3, v28;
	v28 =	vbroadcast v58, $0x0  }
0x20: {  	v15 =	vadd.s32 v2, v15;
	v11 =	vadd.s32 v2, v11;
	v43 =	vor.u32 v0, v27;
	v20 =	vld.idx.msk [tilespmem:v20+s2+$0x0], $0xffff  }
0x21: {  	v44 =	vor.u32 v1, v27;
	v26 =	vld.idx.msk [tilespmem:v26+s2+$0x0], $0xffff;
	v4 =	vbroadcast v4, $0x0;
	v46 =	vadd.s32 v0, v28  }
0x22: {  	v5 =	vld.idx.msk [tilespmem:v5+s2+$0x0], $0xffff;
	v47 =	vadd.s32 v1, v28;
	v6 =	vmul.u32 $0x2400, v6;
	v7 =	vmul.u32 $0x60, v7  }
0x23: {  	v33 =	vld.idx.msk [tilespmem:v14+s2+$0x0], $0xffff;
	v14 =	vor.u32 v0, v4;
	v9 =	vmul.u32 $0x2400, v9;
	v10 =	vmul.u32 $0x60, v10  }
0x24: {  	v6 =	vadd.s32 v6, v7;
	v7 =	vmul.u32 $0x2400, v13;
	v13 =	vmul.u32 $0x60, v16;
	v16 =	vld.idx.msk [tilespmem:v21+s2+$0x0], $0xffff  }
0x25: {  	s12 =	simm.s32 $0xE0;
	v21 =	vadd.s32 v9, v10;
	v9 =	vld.idx.msk [tilespmem:v22+s2+$0x0], $0xffff;
	v3 =	vadd.s32 v3, v6;
	v6 =	vmul.u32 $0x2400, v17  }
0x26: {  	s11 =	simm.s32 $0xA0;
	v22 =	vadd.s32 v7, v13;
	v7 =	vmul.u32 $0x2400, v19;
	v19 =	vld.idx.msk [tilespmem:v23+s2+$0x0], $0xffff;
	v23 =	vmov s12  }
0x27: {  	s26 =	simm.s32 $0x90;
	v59 =	vld.idx.msk [tilespmem:v8+s2+$0x0], $0xffff;
	v17 =	vmul.u32 $0x60, v18;
	v18 =	vmov s11;
	v23 =	vmul.u32 $0x3, v23  }
0x28: {  	s25 =	simm.s32 $0xF0;
	v31 =	vld.idx.msk [tilespmem:v12+s2+$0x0], $0xffff;
	v26 =	vmul.u32 $0x60, v26;
	v13 =	vmov s26;
	v18 =	vmul.u32 $0x3, v18  }
0x29: {  	v15 =	vld.idx.msk [tilespmem:v15+s2+$0x0], $0xffff;
	v10 =	vmov s25;
	v13 =	vmul.u32 $0x3, v13;
	v23 =	vbroadcast v23, $0x0  }
0x2a: {  	v35 =	vld.idx.msk [tilespmem:v11+s2+$0x0], $0xffff;
	v17 =	vadd.s32 v6, v17;
	v32 =	vbroadcast v18, $0x0;
	v18 =	vor.u32 v1, v4  }
0x2b: {  	v14 =	vld.idx.msk [tilespmem:v14+s2+$0x0], $0xffff;
	v6 =	vmul.u32 $0x60, v20;
	v12 =	vbroadcast v13, $0x0;
	v8 =	vadd.s32 v0, v23  }
0x2c: {  	s28 =	simm.s32 $0xB0;
	v20 =	vld.idx.msk [tilespmem:v24+s2+$0x0], $0xffff;
	v16 =	vmul.u32 $0x2400, v16;
	v9 =	vmul.u32 $0x60, v9;
	v13 =	vadd.s32 v1, v23  }
0x2d: {  	v10 =	vmul.u32 $0x3, v10;
	v24 =	vld.idx.msk [tilespmem:v25+s2+$0x0], $0xffff;
	v25 =	vmov s28;
	v23 =	vadd.s32 v2, v23  }
0x2e: {  	v25 =	vmul.u32 $0x3, v25;
	v36 =	vadd.s32 v0, v12;
	v16 =	vadd.s32 v16, v9;
	v9 =	vld.idx.msk [tilespmem:v43+s2+$0x0], $0xffff  }
0x2f: {  	v34 =	vbroadcast v10, $0x0;
	v5 =	vadd.s32 v5, v22;
	v37 =	vadd.s32 v1, v12;
	v49 =	vld.idx.msk [tilespmem:v18+s2+$0x0], $0xffff  }
0x30: {  	v17 =	vadd.s32 v59, v17;
	v25 =	vbroadcast v25, $0x0;
	v38 =	vadd.s32 v0, v32;
	v41 =	vld.idx.msk [tilespmem:v8+s2+$0x0], $0xffff  }
0x31: {  	v48 =	vadd.s32 v0, v34;
	v50 =	vadd.s32 v7, v6;
	v39 =	vadd.s32 v1, v32;
	v45 =	vld.idx.msk [tilespmem:v13+s2+$0x0], $0xffff  }
0x32: {  	v7 =	vor.u32 v2, v27;
	v11 =	vadd.s32 v2, v12;
	v40 =	vadd.s32 v0, v25;
	v12 =	vld.idx.msk [tilespmem:v23+s2+$0x0], $0xffff  }
0x33: {  	v6 =	vadd.s32 v2, v28;
	v10 =	vadd.s32 v2, v32;
	v42 =	vadd.s32 v1, v25;
	v23 =	vld.idx.msk [tilespmem:v36+s2+$0x0], $0xffff  }
0x34: {  	s10 =	simm.s32 $0x49C0;
	v22 =	vadd.s32 v31, v50;
	v27 =	vmul.u32 $0x2400, v19;
	v8 =	vadd.s32 v2, v25;
	v25 =	vld.idx.msk [tilespmem:v37+s2+$0x0], $0xffff  }
0x35: {  	[tilespmem:s10+$0x20] =	vst v3;
	v14 =	vmul.u32 $0x2400, v14;
	v20 =	vmul.u32 $0x60, v20;
	v24 =	vmul.u32 $0x2400, v24;
	v60 =	vld.idx.msk [tilespmem:v38+s2+$0x0], $0xffff  }
0x36: {  	[tilespmem:s10+$0xFFFFFFD0] =	vst v5;
	v62 =	vld.idx.msk [tilespmem:v39+s2+$0x0], $0xffff;
	v3 =	vmul.u32 $0x60, v49;
	v19 =	vmul.u32 $0x2400, v41;
	v61 =	vmul.u32 $0x60, v45  }
0x37: {  	v18 =	vadd.s32 v1, v34;
	v20 =	vadd.s32 v27, v20;
	v26 =	vadd.s32 v24, v26;
	v63 =	vld.idx.msk [tilespmem:v40+s2+$0x0], $0xffff  }
0x38: {  	v13 =	vor.u32 v2, v4;
	v3 =	vadd.s32 v14, v3;
	v32 =	vadd.s32 v19, v61;
	v19 =	vld.idx.msk [tilespmem:v42+s2+$0x0], $0xffff  }
0x39: {  	[tilespmem:s10+$0xFFFFFFE0] =	vst v17;
	v17 =	vld.idx.msk [tilespmem:v48+s2+$0x0], $0xffff;
	v14 =	vadd.s32 v30, v21;
	v24 =	vmul.u32 $0x2400, v23;
	v25 =	vmul.u32 $0x60, v25  }
0x3a: {  	v20 =	vadd.s32 v15, v20;
	v21 =	vmul.u32 $0x2400, v60;
	[tilespmem:s10+$0xFFFFFFC0] =	vst v14;
	v14 =	vld.idx.msk [tilespmem:v46+s2+$0x0], $0xffff;
	v23 =	vadd.s32 v33, v16  }
0x3b: {  	s9 =	simm.s32 $0x4A40;
	[tilespmem:s10+$0xFFFFFFF0] =	vst v22;
	v16 =	vld.idx.msk [tilespmem:v47+s2+$0x0], $0xffff;
	v5 =	vadd.s32 v24, v25;
	v24 =	vmul.u32 $0x60, v62;
	v12 =	vadd.s32 v12, v32  }
0x3c: {  	s11 =	simm.s32 $0x8;
	s12 =	simm.s32 $0x170;
	v22 =	vadd.s32 v35, v26;
	v4 =	vadd.s32 v2, v34;
	v15 =	vmul.u32 $0x2400, v63;
	[tilespmem:s9+$0x20] =	vst v12;
	v12 =	vld.idx.msk [tilespmem:v44+s2+$0x0], $0xffff  }
.LBB2_2:
0x3d: {  	s13 =	sadd.s32 $0xFFFFFFA0, s12;
	s14 =	sadd.s32 $0xFFFFFFB0, s12;
	s15 =	sadd.s32 $0xFFFFFFF0, s12;
	v25 =	vmov s12;
	v21 =	vadd.s32 v21, v24;
	v19 =	vmul.u32 $0x60, v19;
	v24 =	vld.idx.msk [tilespmem:v18+s2+$0x0], $0xffff;
	[tilespmem:s10+$0x0] =	vst v23  }
0x3e: {  	s11 =	sadd.s32 $0x8, s11;
	v18 =	vmov s13;
	v23 =	vmov s14;
	s13 =	sadd.s32 $0xFFFFFFC0, s12;
	s14 =	sadd.s32 $0xFFFFFFD0, s12;
	v26 =	vmov s15;
	v27 =	vld.idx.msk [tilespmem:v13+s2+$0x0], $0xffff  }
0x3f: {  	s15 =	sadd.s32 $0xFFFFFF90, s12;
	p0 =	slt.u32 s11, $0x180;
	v13 =	vmov s13;
	v28 =	vmov s14;
	s13 =	sadd.s32 $0xFFFFFFE0, s12;
	v26 =	vmul.u32 $0x3, v26;
	v29 =	vld.idx.msk [tilespmem:v11+s2+$0x0], $0xffff;
	[tilespmem:s10+$0x10] =	vst v20  }
0x40: {  	v11 =	vmov s15;
	v18 =	vmul.u32 $0x3, v18;
	v20 =	vmov s13;
	v30 =	vld.idx.msk [tilespmem:v10+s2+$0x0], $0xffff;
	[tilespmem:s10+$0x30] =	vst v22;
	s10 =	smov.u32 s9  }
0x41: {  	v10 =	vmul.u32 $0x3, v11;
	v11 =	vmul.u32 $0x3, v23;
	v22 =	vbroadcast v26, $0x0;
	v23 =	vld.idx.msk [tilespmem:v8+s2+$0x0], $0xffff  }
0x42: {  	v8 =	vmul.u32 $0x3, v13;
	v13 =	vmul.u32 $0x3, v28;
	v20 =	vmul.u32 $0x3, v20;
	v26 =	vld.idx.msk [tilespmem:v7+s2+$0x0], $0xffff  }
0x43: {  	v25 =	vmul.u32 $0x3, v25;
	v7 =	vbroadcast v10, $0x0;
	v10 =	vadd.s32 v0, v22;
	v28 =	vld.idx.msk [tilespmem:v6+s2+$0x0], $0xffff  }
0x44: {  	v31 =	vbroadcast v11, $0x0;
	v6 =	vbroadcast v18, $0x0;
	v11 =	vadd.s32 v1, v22;
	v32 =	vld.idx.msk [tilespmem:v4+s2+$0x0], $0xffff  }
0x45: {  	v8 =	vbroadcast v8, $0x0;
	v33 =	vbroadcast v13, $0x0;
	v4 =	vor.u32 v0, v7  }
0x46: {  	v25 =	vbroadcast v25, $0x0;
	v20 =	vbroadcast v20, $0x0;
	v13 =	vor.u32 v1, v7  }
0x47: {  	v22 =	vadd.s32 v2, v22;
	v34 =	vadd.s32 v0, v6;
	v35 =	vadd.s32 v1, v6  }
0x48: {  	v36 =	vadd.s32 v0, v31;
	v37 =	vadd.s32 v1, v31;
	v38 =	vadd.s32 v0, v8;
	v39 =	vld.idx.msk [tilespmem:v10+s2+$0x0], $0xffff  }
0x49: {  	v40 =	vadd.s32 v1, v8;
	v41 =	vor.u32 v0, v33;
	v42 =	vor.u32 v1, v33;
	v43 =	vld.idx.msk [tilespmem:v11+s2+$0x0], $0xffff  }
0x4a: {  	v47 =	vadd.s32 v0, v25;
	v45 =	vadd.s32 v0, v20;
	v46 =	vadd.s32 v1, v20;
	v44 =	vld.idx.msk [tilespmem:v4+s2+$0x0], $0xffff  }
0x4b: {  	v18 =	vadd.s32 v1, v25;
	v11 =	vadd.s32 v2, v6;
	v48 =	vld.idx.msk [tilespmem:v13+s2+$0x0], $0xffff;
	v13 =	vor.u32 v2, v7  }
0x4c: {  	v8 =	vadd.s32 v2, v8;
	v10 =	vadd.s32 v2, v31;
	v7 =	vor.u32 v2, v33;
	v22 =	vld.idx.msk [tilespmem:v22+s2+$0x0], $0xffff  }
0x4d: {  	v9 =	vmul.u32 $0x2400, v9;
	v6 =	vadd.s32 v2, v20;
	v4 =	vadd.s32 v2, v25;
	v31 =	vld.idx.msk [tilespmem:v34+s2+$0x0], $0xffff  }
0x4e: {  	v12 =	vmul.u32 $0x60, v12;
	v14 =	vmul.u32 $0x2400, v14;
	v16 =	vmul.u32 $0x60, v16;
	v20 =	vld.idx.msk [tilespmem:v35+s2+$0x0], $0xffff  }
0x4f: {  	v17 =	vmul.u32 $0x2400, v17;
	v33 =	vmul.u32 $0x2400, v39;
	v34 =	vmul.u32 $0x60, v43;
	v25 =	vld.idx.msk [tilespmem:v36+s2+$0x0], $0xffff  }
0x50: {  	v15 =	vadd.s32 v15, v19;
	v24 =	vmul.u32 $0x60, v24;
	v35 =	vmul.u32 $0x2400, v44;
	v36 =	vld.idx.msk [tilespmem:v37+s2+$0x0], $0xffff  }
0x51: {  	v37 =	vmul.u32 $0x60, v48;
	v33 =	vadd.s32 v33, v34;
	v34 =	vadd.s32 v9, v12;
	v38 =	vld.idx.msk [tilespmem:v38+s2+$0x0], $0xffff  }
0x52: {  	s9 =	sadd.s32 $0x80, s9;
	v12 =	vadd.s32 v22, v33;
	v22 =	vadd.s32 v14, v16;
	v33 =	vadd.s32 v17, v24;
	v19 =	vld.idx.msk [tilespmem:v40+s2+$0x0], $0xffff  }
.Ltmp0:
0x53: {  	v14 =	vadd.s32 v27, v3;
	v16 =	vmul.u32 $0x2400, v31;
	v3 =	vadd.s32 v35, v37;
	v9 =	vld.idx.msk [tilespmem:v41+s2+$0x0], $0xffff;
	[tilespmem:s9+$0x20] =	vst v12;
	(pc) =	sbr.rel @p0 .LBB2_2-.Ltmp0, $4  }
0x54: {  	v5 =	vadd.s32 v29, v5;
	v17 =	vmul.u32 $0x60, v20;
	v20 =	vadd.s32 v30, v21;
	v12 =	vld.idx.msk [tilespmem:v42+s2+$0x0], $0xffff;
	[tilespmem:s10+$0xFFFFFFC0] =	vst v14  }
0x55: {  	v21 =	vmul.u32 $0x2400, v25;
	v25 =	vadd.s32 v23, v15;
	v23 =	vadd.s32 v26, v34;
	v14 =	vld.idx.msk [tilespmem:v45+s2+$0x0], $0xffff;
	[tilespmem:s10+$0xFFFFFFD0] =	vst v5  }
0x56: {  	v5 =	vadd.s32 v16, v17;
	v24 =	vmul.u32 $0x60, v36;
	v16 =	vld.idx.msk [tilespmem:v46+s2+$0x0], $0xffff;
	[tilespmem:s10+$0xFFFFFFE0] =	vst v20;
	v20 =	vadd.s32 v28, v22  }
0x57: {  	s12 =	sadd.s32 $0x80, s12;
	v15 =	vmul.u32 $0x2400, v38;
	v22 =	vadd.s32 v32, v33;
	v17 =	vld.idx.msk [tilespmem:v47+s2+$0x0], $0xffff;
	[tilespmem:s10+$0xFFFFFFF0] =	vst v25  }
0x58: {  	_ =	sdelay $0x3  }
0x59: {  	v18 =	vld.idx.msk [tilespmem:v18+s2+$0x0], $0xffff  }
0x5a: {  	v13 =	vld.idx.msk [tilespmem:v13+s2+$0x0], $0xffff  }
0x5b: {  	v10 =	vld.idx.msk [tilespmem:v10+s2+$0x0], $0xffff  }
0x5c: {  	v11 =	vld.idx.msk [tilespmem:v11+s2+$0x0], $0xffff  }
0x5d: {  	[tilespmem:s10+$0x0] =	vst v23;
	v8 =	vld.idx.msk [tilespmem:v8+s2+$0x0], $0xffff  }
0x5e: {  	v21 =	vadd.s32 v21, v24;
	v19 =	vmul.u32 $0x60, v19;
	[tilespmem:s10+$0x10] =	vst v20;
	v7 =	vld.idx.msk [tilespmem:v7+s2+$0x0], $0xffff  }
0x5f: {  	[tilespmem:s10+$0x30] =	vst v22;
	v6 =	vld.idx.msk [tilespmem:v6+s2+$0x0], $0xffff;
	v9 =	vmul.u32 $0x2400, v9;
	v12 =	vmul.u32 $0x60, v12;
	v3 =	vadd.s32 v13, v3  }
0x60: {  	v4 =	vld.idx.msk [tilespmem:v4+s2+$0x0], $0xffff;
	v58 =	vmul.u32 $0x2400, v14;
	v61 =	vadd.s32 v15, v19;
	v10 =	vadd.s32 v10, v21;
	[tilespmem:s9+$0xFFFFFFC0] =	vst v3  }
0x61: {  	v59 =	vmul.u32 $0x60, v16;
	v9 =	vadd.s32 v9, v12;
	v3 =	vadd.s32 v11, v5;
	[tilespmem:s9+$0xFFFFFFE0] =	vst v10  }
0x62: {  	v60 =	vmul.u32 $0x2400, v17;
	v8 =	vadd.s32 v8, v61;
	[tilespmem:s9+$0xFFFFFFD0] =	vst v3;
	v3 =	vmul.u32 $0x60, v18  }
0x63: {  	v62 =	vadd.s32 v58, v59;
	v7 =	vadd.s32 v7, v9;
	[tilespmem:s9+$0xFFFFFFF0] =	vst v8  }
0x64: {  	s8 =	sadd.s32 $0x1, s8;
	v63 =	vadd.s32 v6, v62;
	[tilespmem:s9+$0x0] =	vst v7;
	v3 =	vadd.s32 v60, v3  }
0x65: {  	p0 =	sne.s32 s8, s5;
	[tilespmem:s9+$0x10] =	vst v63;
	v3 =	vadd.s32 v4, v3  }
.Ltmp1:
0x66: {  	[tilespmem:s9+$0x30] =	vst v3;
	(pc) =	sbr.rel @p0 .LBB2_1-.Ltmp1, $4  }
0x67: {  	[hbm4b:s4+s2] =	stream.linear.scatter [tilespmem:s7], [sflag:$0x1], $0x1880, $0x38;
	[tilespmem:$0x6200] =	vst v63  }
0x68: {  	_ =	swait.ge [sflag:s6], $0x1880  }
0x69: {  	[sflag:s6] =	ssyncset.done $0x0  }
0x6a: {  	[sflag:s6] =	ssyncadd.s32 $0xFFFFE780  }
0x6b: {  	_ =	sfence.sel $0x180000  }
0x6c: {  	[bflag:$0x0] =	sbarrier.arrive $0xFFFF  }
0x6d: {  	p0 =	sne.s32 s0, $0x0;
	_ =	strace $0x90000047  }
0x6e: {  	s0 =	sadd.s32 @!p0 $0x100000, s1;
	[bflag:$0x2] =	sbarrier.arrive $0xFFFF  }
0x6f: {  	[sflag:s0] =	ssyncadd.tile.s32 @!p0 $0x1;
	_ =	shalt  }
.Lfunc_end2:
_tile_overlayer_lowered:
.L_overlay_start_2:
0x70: {  	(tag) =	ssettag $0x2  }
0x71: {  	s0 =	rddreg [dreg:$0x0];
	s2 =	stileid.u32  }
0x72: {  	s1 =	rddreg [dreg:$0x1];
	p0 =	sne.s32 s2, $0x0  }
0x73: {  	s3 =	rddreg [dreg:$0x2];
	[bflag:$0x3] =	sbarrier.arrive $0xFFFF;
	s2 =	simm.s32 @!p0 $0x1C01  }
0x74: {  	[timem:s3], [sflag:s2] =	dma.local @!p0 [hbm:s0], s1  }
0x75: {  	s0 =	simm.s32 @!p0 $0x1  }
0x76: {  	_ =	swait.ge @!p0 [sflag:s0], s1  }
0x77: {  	s1 =	ssub.s32 @!p0 $0x0, s1;
	[sflag:s0] =	ssyncset.done @!p0 $0x0  }
0x78: {  	[sflag:s0] =	ssyncadd.s32 @!p0 s1  }
0x79: {  	[bflag:$0x3] =	sbarrier.arrive $0xFFFF  }
0x7a: {  	_ =	shalt  }

// kernel: kernel.9.cloned.1.call-start
scs
__scs_entry_jumppad:
0x0: {  	(pc) =	sbr.rel $0x88, $3  }
0x1: {  	(tag) =	ssettag $0x0;
	lr =	simm.s32 $0x1  }
0x2: {  	[smem:$0x3F9E] =	sst lr;
	_ =	strace $0xD0000000  }
0x3: {  	_ = 	snop  }
0x4: {  	_ = 	snop  }
0x5: {  	_ = 	snop  }
0x6: {  	_ = 	snop  }
0x7: {  	_ = 	snop  }
__scs_overlays_trampoline_lowered:
0x8: {  	[smem:$0x3FAD] =	sst s0  }
0x9: {  	[smem:$0x3FAE] =	sst s1  }
0xa: {  	[smem:$0x3FAF] =	sst s2  }
0xb: {  	[smem:$0x3FB0] =	sst s3  }
0xc: {  	[smem:$0x3FB1] =	sst s4  }
0xd: {  	[smem:$0x3FB2] =	sst s5  }
0xe: {  	[smem:$0x3FB3] =	sst s6  }
0xf: {  	[smem:$0x3FB4] =	sst s7  }
0x10: {  	[smem:$0x3FB5] =	sst s8  }
0x11: {  	[smem:$0x3FB6] =	sst s9;
	s0 =	simm.s32 @!p0 $0x0  }
0x12: {  	s1 =	sld [smem:$0x3F9C];
	s0 =	simm.s32 @p0 $0x1  }
0x13: {  	[smem:$0x3FB7] =	sst s0;
	s0 =	simm.s32 @!p1 $0x0  }
0x14: {  	s2 =	sld [smem:$0x3F9B];
	s0 =	simm.s32 @p1 $0x1  }
0x15: {  	[smem:$0x3FB8] =	sst s0;
	s0 =	simm.s32 @!p2 $0x0  }
0x16: {  	s3 =	sld [smem:$0x3FDB];
	s0 =	simm.s32 @p2 $0x1  }
0x17: {  	s4 =	simm.s32 $0x1BF5;
	[smem:$0x3FBA] =	sst s0  }
0x18: {  	s0 =	sld [smem:$0x3F9D];
	_ =	swait.ge [sflag:s4], $0x0  }
0x19: {  	s7 =	sld [smem:$0x3F9E]  }
0x1a: {  	s8 =	sadd.s32 $0xFFFFE003, lr  }
0x1b: {  	s9 =	sadd.s32 $0xFFFFFEF7, lr;
	s5 =	simm.s32 $0xFFFFFFFF;
	p2 =	slt.u32 s8, $0xFFFFF086  }
0x1c: {  	p1 =	slt.u32 s9, $0xF7A;
	s5 =	simm.s32 @!p2 $0x0  }
0x1d: {  	s5 =	simm.s32 @p1 $0x1;
	p0 =	seq.s32 s7, s2  }
0x1e: {  	s7 =	smul.u32 @!p0 $0xF7A, s2;
	p2 =	seq.s32 @!p0 s5, $0x0  }
0x1f: {  	s9 =	smul.u32 $0xF7A, s1;
	s8 =	simm.s32 @!p0 $0x1BF5;
	p2 =	por !p2, p0  }
0x20: {  	[sflag:s8] =	ssyncset.s32 @!p0 $0xFFFFF086;
	s6 =	sadd.s32 @!p0 s3, s7;
	s7 =	simm.s32 @!p0 $0x108  }
0x21: {  	s3 =	sadd.s32 s3, s9;
	s6 =	sadd.s32 @!p0 $0x88, s6;
	s7 =	simm.s32 @p2 $0x1082  }
0x22: {  	[simem:s7], [sflag:s8] =	dma.local @!p0 [hbm:s6], $0xF7A  }
0x23: {  	s9 =	sor.u32 $0xD0000000, s2;
	s6 =	simm.s32 $0x108;
	_ =	swait.ge @!p0 [sflag:s8], $0x0  }
0x24: {  	s3 =	sadd.s32 $0x88, s3;
	s6 =	simm.s32 @!p1 $0x1082;
	[sflag:s4] =	ssyncset.s32 $0xFFFFF086  }
0x25: {  	[simem:s6], [sflag:s4] =	dma.local [hbm:s3], $0xF7A  }
0x26: {  	[smem:$0x3F9E] =	sst s1;
	(tag) =	ssettag s2;
	_ =	strace s9  }
0x27: {  	s1 =	sld [smem:$0x3FAE]  }
0x28: {  	s2 =	sld [smem:$0x3FAF]  }
0x29: {  	s4 =	sld [smem:$0x3FB1]  }
0x2a: {  	p0 =	seq.s32 s5, $0x0;
	s5 =	sld [smem:$0x3FB2]  }
0x2b: {  	s6 =	sld [smem:$0x3FB3]  }
0x2c: {  	s7 =	sld [smem:$0x3FB4]  }
0x2d: {  	s3 =	simm.s32 $0x108;
	s8 =	sld [smem:$0x3FB5]  }
0x2e: {  	s3 =	simm.s32 @!p0 $0x1082;
	s9 =	sld [smem:$0x3FB6]  }
0x2f: {  	lr =	sadd.s32 s0, s3;
	s0 =	sld [smem:$0x3FAD]  }
0x30: {  	s3 =	sld [smem:$0x3FB0]  }
0x31: {  	[smem:$0x3FB9] =	sst s10  }
0x32: {  	s10 =	sld [smem:$0x3FB7];
	_ =	sdelay $0x3  }
0x33: {  	p0 =	seq.s32 s10, $0x1;
	s10 =	sld [smem:$0x3FB9];
	_ =	sdelay $0x3  }
0x34: {  	[smem:$0x3FB9] =	sst s10  }
0x35: {  	s10 =	sld [smem:$0x3FB8];
	_ =	sdelay $0x3  }
0x36: {  	p1 =	seq.s32 s10, $0x1;
	s10 =	sld [smem:$0x3FB9];
	_ =	sdelay $0x3  }
0x37: {  	[smem:$0x3FB9] =	sst s10  }
0x38: {  	s10 =	sld [smem:$0x3FBA]  }
0x39: {  	_ = 	snop;
	(pc) =	sbr.ind lr, $3  }
0x3a: {  	_ = 	snop  }
0x3b: {  	_ = 	snop  }
0x3c: {  	p2 =	seq.s32 s10, $0x1;
	s10 =	sld [smem:$0x3FB9]  }
0x3d: {  	_ =	shalt  }
0x3e: {  	_ =	shalt  }
0x3f: {  	_ =	shalt  }
0x40: {  	_ =	shalt  }
0x41: {  	_ =	shalt  }
0x42: {  	_ =	shalt  }
0x43: {  	_ =	shalt  }
0x44: {  	_ =	shalt  }
0x45: {  	_ =	shalt  }
0x46: {  	_ =	shalt  }
0x47: {  	_ =	shalt  }
0x48: {  	_ =	shalt  }
0x49: {  	_ =	shalt  }
0x4a: {  	_ =	shalt  }
0x4b: {  	_ =	shalt  }
0x4c: {  	_ =	shalt  }
0x4d: {  	_ =	shalt  }
0x4e: {  	_ =	shalt  }
0x4f: {  	_ =	shalt  }
0x50: {  	_ =	shalt  }
0x51: {  	_ =	shalt  }
0x52: {  	_ =	shalt  }
0x53: {  	_ =	shalt  }
0x54: {  	_ =	shalt  }
0x55: {  	_ =	shalt  }
0x56: {  	_ =	shalt  }
0x57: {  	_ =	shalt  }
0x58: {  	_ =	shalt  }
0x59: {  	_ =	shalt  }
0x5a: {  	_ =	shalt  }
0x5b: {  	_ =	shalt  }
0x5c: {  	_ =	shalt  }
0x5d: {  	_ =	shalt  }
0x5e: {  	_ =	shalt  }
0x5f: {  	_ =	shalt  }
0x60: {  	_ =	shalt  }
0x61: {  	_ =	shalt  }
0x62: {  	_ =	shalt  }
0x63: {  	_ =	shalt  }
0x64: {  	_ =	shalt  }
0x65: {  	_ =	shalt  }
0x66: {  	_ =	shalt  }
0x67: {  	_ =	shalt  }
0x68: {  	_ =	shalt  }
0x69: {  	_ =	shalt  }
0x6a: {  	_ =	shalt  }
0x6b: {  	_ =	shalt  }
0x6c: {  	_ =	shalt  }
0x6d: {  	_ =	shalt  }
0x6e: {  	_ =	shalt  }
0x6f: {  	_ =	shalt  }
0x70: {  	_ =	shalt  }
0x71: {  	_ =	shalt  }
0x72: {  	_ =	shalt  }
0x73: {  	_ =	shalt  }
0x74: {  	_ =	shalt  }
0x75: {  	_ =	shalt  }
0x76: {  	_ =	shalt  }
0x77: {  	_ =	shalt  }
0x78: {  	_ =	shalt  }
0x79: {  	_ =	shalt  }
0x7a: {  	_ =	shalt  }
0x7b: {  	_ =	shalt  }
0x7c: {  	_ =	shalt  }
0x7d: {  	_ =	shalt  }
0x7e: {  	_ =	shalt  }
0x7f: {  	_ =	shalt  }
0x80: {  	_ =	shalt  }
0x81: {  	_ =	shalt  }
0x82: {  	_ =	shalt  }
0x83: {  	_ =	shalt  }
0x84: {  	_ =	shalt  }
0x85: {  	_ =	shalt  }
0x86: {  	_ =	shalt  }
0x87: {  	_ =	shalt  }
.Lfunc_end0:
.L_simem_size_0:
called_computation.1_lowered:
.L_overlay_start_0:
0x88: {  	s2 =	sld [smem:$0x3FD9]  }
0x89: {  	s3 =	sld [smem:$0x3FFE];
	_ =	sdelay $0x1  }
0x8a: {  	s1 =	srdreg.scid  }
0x8b: {  	s0 =	sand.u32 $0x1, s1  }
0x8c: {  	s17 =	sshll.u32 s0, $0xA;
	s2 =	sadd.s32 s3, s2  }
0x8d: {  	s2 =	sadd.s32 s2, s17  }
0x8e: {  	[smem:$0x3FC5] =	sst s2  }
0x8f: {  	_ = 	snop  }
0x90: {  	s2 =	sld [smem:$0x3FD0];
	(tm) =	ssettm $0x1  }
0x91: {  	s18 =	sld [smem:$0x3FFB];
	_ =	sdelay $0x3  }
0x92: {  	_ =	strace s18  }
0x93: {  	s3 =	sld [smem:$0x3FFC];
	_ =	sdelay $0x3  }
0x94: {  	_ =	strace s3  }
0x95: {  	s3 =	sld [smem:$0x3FFD];
	_ =	sdelay $0x3  }
0x96: {  	_ =	strace s3  }
0x97: {  	_ =	strace $0x8FFFFFFF  }
0x98: {  	s19 =	sld [smem:$0x3FDB];
	_ =	sdelay $0x1  }
0x99: {  	s4 =	simm.s32 $_scs_section_size  }
0x9a: {  	s5 =	simm.s32 $_size__tile_overlayer_lowered;
	s6 =	simm.s32 $_tile_overlayer_lowered  }
0x9b: {  	s22 =	simm.s32 $0x1BFF;
	s21 =	sshll.u32 s6, $0x1;
	s3 =	sadd.s32 s4, s19  }
0x9c: {  	s7 =	simm.s32 $0x0;
	s20 =	sshll.u32 s5, $0x1;
	s5 =	sadd.s32 s21, s3  }
0x9d: {  	[timem:s7], [sflag:s22] =	dma.local [hbm:s5], s20  }
0x9e: {  	_ =	swait.ge [sflag:s22], s20  }
0x9f: {  	s4 =	ssub.s32 $0x0, s20;
	[sflag:s22] =	ssyncset.done $0x0  }
0xa0: {  	[sflag:s22] =	ssyncadd.s32 s4;
	_ =	sdelay $0x1  }
0xa1: {  	s23 =	simm.s32 $0x1B8B  }
0xa2: {  	_ =	swait.ge [sflag:s23], $0x1  }
0xa3: {  	[sflag:s23] =	ssyncset.done $0x0  }
0xa4: {  	s25 =	simm.s32 $0x1B8E;
	s24 =	sld [smem:$0x3FFE];
	[sflag:s23] =	ssyncadd.s32 $0xFFFFFFFF  }
0xa5: {  	s26 =	simm.s32 $execute0_lowered;
	[smem:$0x3FD2] =	sst s25  }
0xa6: {  	s5 =	sshll.u32 s26, $0x1;
	_ =	strace $0x80000049;
	[dreg:$0x1] =	wrdreg $0xFFFFFFFF  }
0xa7: {  	s28 =	simm.s32 $_size_execute0_lowered;
	s3 =	sadd.s32 s3, s5;
	[dreg:$0x0] =	wrdreg $0x0  }
0xa8: {  	s5 =	sshll.u32 s28, $0x1;
	[dreg:$0x2] =	wrdreg s3  }
0xa9: {  	[dreg:$0x3] =	wrdreg s5  }
0xaa: {  	[dreg:$0x4] =	wrdreg $0xC0  }
0xab: {  	_ =	task [dreg:s7], $0x5FFFF  }
0xac: {  	[dreg:$0x1] =	wrdreg $0xFFFFFFFF  }
0xad: {  	[dreg:$0x0] =	wrdreg $0x60  }
0xae: {  	[dreg:$0x2] =	wrdreg s24  }
0xaf: {  	[dreg:$0x3] =	wrdreg s2  }
0xb0: {  	[dreg:$0x4] =	wrdreg $0x9  }
0xb1: {  	_ =	task.clear_ibuf [dreg:s7], $0x5FFFF;
	_ =	strace $0x90000049  }
0xb2: {  	s29 =	simm.s32 $0x9;
	_ =	strace $0x8000004B  }
0xb3: {  	_ =	swait.ge [sflag:s29], $0x1  }
0xb4: {  	[sflag:s29] =	ssyncadd.s32 $0xFFFFFFFF  }
0xb5: {  	_ =	strace $0x9000004B  }
0xb6: {  	_ =	sfence  }
0xb7: {  	s30 =	sld [smem:$0x0];
	_ =	sdelay $0x2  }
0xb8: {  	s31 =	sshll.u32 s1, $0xD;
	s1 =	sshrl.u32 s1, $0x2  }
0xb9: {  	s3 =	sand.u32 $0x4000, s31;
	s1 =	sadd.s32 s1, s30  }
0xba: {  	s0 =	sor.u32 s3, s0;
	s1 =	sshll.u32 s1, $0x11  }
0xbb: {  	s0 =	sor.u32 s1, s0  }
0xbc: {  	s0 =	sadd.s32 $0x8F2B, s0  }
0xbd: {  	[sflag:s0] =	ssyncadd.remote.s32 $0x1  }
0xbe: {  	_ =	sfence.sel $0xFFFF  }
0xbf: {  	[dreg:$0x0] =	wrdreg $0xFFFFFFFF;
	(pc) =	sbr.abs _section_cstart, $3  }
0xc0: {  	[dreg:$0x1] =	wrdreg $0xFFFFFFFF  }
0xc1: {  	_ =	task.clear_ibuf [dreg:s7], $0x2FFFF;
	_ =	strace $0x9FFFFFFF  }
0xc2: {  	(tm) =	ssettm $0x7FFFFFFF  }
0xc3: {  	_ =	shalt  }
tec
execute0_lowered:
.L_overlay_start_1:
0x0: {  	(tag) =	ssettag $0x1  }
0x1: {  	s3 =	rddreg [dreg:$0x0];
	s1 =	srdreg.scid  }
0x2: {  	s0 =	stileid.u32;
	s4 =	rddreg [dreg:$0x1];
	s2 =	simm.s32 $0x0  }
0x3: {  	s8 =	simm.s32 $0x0;
	s5 =	sand.u32 $0x1, s1;
	s6 =	sshll.u32 s0, $0x1  }
0x4: {  	s1 =	rddreg [dreg:$0x2];
	s6 =	sor.u32 s5, s6;
	s5 =	ssub.s32 $0x2, s5  }
0x5: {  	[smem:$0x7FF] =	sst s2;
	s6 =	smul.u32 $0x6C00, s6;
	s7 =	sshrl.u32 s5, $0x1  }
0x6: {  	s3 =	sadd.s32 $0x2A00, s3;
	_ =	strace $0x8000004A;
	s5 =	ssub.s32 s5, s7  }
0x7: {  	s7 =	simm.s32 $0x1;
	s31 =	sshrl.u32 s6, $0x3;
	v0 =	vmov s6;
	s6 =	sadd.s32 $0x6C00, s6  }
0x8: {  	v2 =	vimm.s32 $0x0;
	v3 =	vlaneseq.u32;
	s5 =	smax.u32 s5, $0x1;
	s4 =	sadd.s32 s4, s31;
	v1 =	vmov s6;
	s6 =	simm.s32 $0x6C00  }
.LBB2_1:
0x9: {  	s9 =	simm.s32 $0x40  }
0xa: {  	[tilespmem:s9+$0xFFFFFFC0] =	vst v2  }
0xb: {  	[tilespmem:s9+$0x30] =	vst v2  }
0xc: {  	[tilespmem:s9+$0x20] =	vst v2  }
0xd: {  	[tilespmem:s9+$0x10] =	vst v2  }
0xe: {  	[tilespmem:s9+$0x0] =	vst v2  }
0xf: {  	[tilespmem:s9+$0xFFFFFFF0] =	vst v2  }
0x10: {  	s10 =	simm.s32 $0x0;
	[tilespmem:s9+$0xFFFFFFE0] =	vst v2  }
.LBB2_2:
0x11: {  	s10 =	sadd.s32 $0x8, s10;
	[tilespmem:s9+$0xFFFFFFD0] =	vst v2;
	s9 =	sadd.s32 $0x80, s9  }
0x12: {  	[tilespmem:s9+$0xFFFFFFC0] =	vst v2;
	p0 =	slt.u32 s10, $0x6B8  }
0x13: {  	[tilespmem:s9+$0x30] =	vst v2  }
.Ltmp0:
0x14: {  	[tilespmem:s9+$0x20] =	vst v2;
	(pc) =	sbr.rel @p0 .LBB2_2-.Ltmp0, $4  }
0x15: {  	[tilespmem:s9+$0x10] =	vst v2  }
0x16: {  	[tilespmem:s9+$0x0] =	vst v2  }
0x17: {  	[tilespmem:s9+$0xFFFFFFF0] =	vst v2  }
0x18: {  	[tilespmem:s9+$0xFFFFFFE0] =	vst v2  }
0x19: {  	[tilespmem:s9+$0xFFFFFFD0] =	vst v2;
	s9 =	simm.s32 $0x0;
	s10 =	simm.s32 $0x0  }
.LBB2_4:
0x1a: {  	s11 =	smul.u32 $0x1880, s10;
	_ =	sdelay $0x1  }
0x1b: {  	s11 =	sshrl.u32 s11, $0x3  }
0x1c: {  	s11 =	sadd.s32 s3, s11  }
0x1d: {  	[tilespmem:s6], [sflag:$0x1] =	stream.linear.gather [hbm4b:s11+s2], $0x1880, $0x38;
	[tilespmem:$0x8480] =	vst v63  }
0x1e: {  	_ =	swait.ge [sflag:s7], $0x1880  }
0x1f: {  	s12 =	simm.s32 $0x6C20;
	[sflag:s7] =	ssyncset.done $0x0  }
0x20: {  	s13 =	smov.u32 s9;
	s11 =	simm.s32 $0xFFFFFFFC;
	[sflag:s7] =	ssyncadd.s32 $0xFFFFE780  }
.LBB2_5:
0x21: {  	v4 =	vld [tilespmem:s12+$0xFFFFFFE0];
	_ =	sdelay $0x4  }
0x22: {  	v5 =	vmov s13;
	vm0 =	vge.s32 v4, v0;
	vm1 =	vlt.s32 v4, v1  }
0x23: {  	vm14 =	vlt.u32 v5, $0x30D40;
	vm0 =	vmand vm0, vm1  }
0x24: {  	vm0 =	vmand vm14, vm0  }
0x25: {  	(xrf1) =	vunique.msk.u32 vm0, v4;
	_ =	sdelay $0xd  }
0x26: {  	_, v5, vm15 =	vpop (xrf1)  }
0x27: {  	v4 =	vsub.s32 v4, v0;
	vm1 =	vmand vm0, vm15  }
0x28: {  	v4 =	vnsel vm0, $0x0, v4;
	_ =	sdelay $0x3  }
0x29: {  	v5 =	vor.u32 s13, v3  }
0x2a: {  	[tilespmem:v4+s2+$0x0] =	vst.idx.msk vm1, v5  }
0x2b: {  	v4 =	vld [tilespmem:s12+$0xFFFFFFF0];
	_ =	sdelay $0x3  }
0x2c: {  	s14 =	sadd.s32 $0x10, s13  }
0x2d: {  	v5 =	vmov s14;
	vm4 =	vge.s32 v4, v0;
	vm5 =	vlt.s32 v4, v1  }
0x2e: {  	vm6 =	vlt.u32 v5, $0x30D40;
	vm0 =	vmand vm4, vm5  }
0x2f: {  	vm0 =	vmand vm6, vm0  }
0x30: {  	(xrf1) =	vunique.msk.u32 vm0, v4;
	_ =	sdelay $0xd  }
0x31: {  	_, v5, vm7 =	vpop (xrf1)  }
0x32: {  	v4 =	vsub.s32 v4, v0;
	vm1 =	vmand vm0, vm7  }
0x33: {  	v4 =	vnsel vm0, $0x0, v4;
	_ =	sdelay $0x3  }
0x34: {  	v5 =	vor.u32 s14, v3  }
0x35: {  	[tilespmem:v4+s2+$0x0] =	vst.idx.msk vm1, v5  }
0x36: {  	v4 =	vld [tilespmem:s12+$0x0];
	_ =	sdelay $0x3  }
0x37: {  	s30 =	sadd.s32 $0x20, s13  }
0x38: {  	v5 =	vmov s30;
	vm8 =	vge.s32 v4, v0;
	vm9 =	vlt.s32 v4, v1  }
0x39: {  	vm10 =	vlt.u32 v5, $0x30D40;
	vm0 =	vmand vm8, vm9  }
0x3a: {  	vm0 =	vmand vm10, vm0  }
0x3b: {  	(xrf1) =	vunique.msk.u32 vm0, v4;
	_ =	sdelay $0xd  }
0x3c: {  	_, v5, vm11 =	vpop (xrf1)  }
0x3d: {  	v4 =	vsub.s32 v4, v0;
	vm1 =	vmand vm0, vm11  }
0x3e: {  	v4 =	vnsel vm0, $0x0, v4;
	_ =	sdelay $0x3  }
0x3f: {  	v5 =	vor.u32 s30, v3  }
0x40: {  	[tilespmem:v4+s2+$0x0] =	vst.idx.msk vm1, v5  }
0x41: {  	v4 =	vld [tilespmem:s12+$0x10];
	_ =	sdelay $0x3  }
0x42: {  	s31 =	sadd.s32 $0x30, s13  }
0x43: {  	v5 =	vmov s31;
	vm12 =	vge.s32 v4, v0;
	vm13 =	vlt.s32 v4, v1  }
0x44: {  	vm14 =	vlt.u32 v5, $0x30D40;
	vm0 =	vmand vm12, vm13  }
0x45: {  	vm0 =	vmand vm14, vm0  }
0x46: {  	(xrf1) =	vunique.msk.u32 vm0, v4;
	_ =	sdelay $0xd  }
0x47: {  	_, v5, vm15 =	vpop (xrf1)  }
0x48: {  	s11 =	sadd.s32 $0x4, s11;
	v4 =	vsub.s32 v4, v0;
	vm1 =	vmand vm0, vm15  }
0x49: {  	p0 =	slt.u32 s11, $0x184;
	v4 =	vnsel vm0, $0x0, v4  }
.Ltmp1:
0x4a: {  	_ = 	snop;
	(pc) =	sbr.rel @p0 .LBB2_5-.Ltmp1, $3  }
0x4b: {  	_ =	sdelay $0x1  }
0x4c: {  	v5 =	vor.u32 s31, v3  }
0x4d: {  	s13 =	sadd.s32 $0x40, s13;
	s12 =	sadd.s32 $0x40, s12;
	[tilespmem:v4+s2+$0x0] =	vst.idx.msk vm1, v5  }
0x4e: {  	s10 =	sadd.s32 $0x1, s10  }
0x4f: {  	p0 =	sne.s32 s10, $0x20  }
.Ltmp2:
0x50: {  	_ = 	snop;
	(pc) =	sbr.rel @p0 .LBB2_4-.Ltmp2, $2  }
0x51: {  	_ =	sdelay $0x2  }
0x52: {  	s9 =	sadd.s32 $0x1880, s9  }
0x53: {  	s8 =	sadd.s32 $0x1, s8  }
0x54: {  	p0 =	sne.s32 s8, s5  }
.Ltmp3:
0x55: {  	_ = 	snop;
	(pc) =	sbr.rel @p0 .LBB2_1-.Ltmp3, $4  }
0x56: {  	[hbm4b:s4+s2] =	stream.linear.scatter [tilespmem:s2], [sflag:$0x1], $0x6C00, $0x38;
	[tilespmem:$0x8480] =	vst v63  }
0x57: {  	_ =	swait.ge [sflag:s7], $0x6C00  }
0x58: {  	[sflag:s7] =	ssyncset.done $0x0  }
0x59: {  	[sflag:s7] =	ssyncadd.s32 $0xFFFF9400  }
0x5a: {  	_ =	sfence.sel $0x180000  }
0x5b: {  	[bflag:$0x0] =	sbarrier.arrive $0xFFFF  }
0x5c: {  	p0 =	sne.s32 s0, $0x0;
	_ =	strace $0x9000004A  }
0x5d: {  	s0 =	sadd.s32 @!p0 $0x100000, s1;
	[bflag:$0x2] =	sbarrier.arrive $0xFFFF  }
0x5e: {  	[sflag:s0] =	ssyncadd.tile.s32 @!p0 $0x1;
	_ =	shalt  }
.Lfunc_end2:
_tile_overlayer_lowered:
.L_overlay_start_2:
0x5f: {  	(tag) =	ssettag $0x2  }
0x60: {  	s0 =	rddreg [dreg:$0x0];
	s2 =	stileid.u32  }
0x61: {  	s1 =	rddreg [dreg:$0x1];
	p0 =	sne.s32 s2, $0x0  }
0x62: {  	s3 =	rddreg [dreg:$0x2];
	[bflag:$0x3] =	sbarrier.arrive $0xFFFF;
	s2 =	simm.s32 @!p0 $0x1C01  }
0x63: {  	[timem:s3], [sflag:s2] =	dma.local @!p0 [hbm:s0], s1  }
0x64: {  	s0 =	simm.s32 @!p0 $0x1  }
0x65: {  	_ =	swait.ge @!p0 [sflag:s0], s1  }
0x66: {  	s1 =	ssub.s32 @!p0 $0x0, s1;
	[sflag:s0] =	ssyncset.done @!p0 $0x0  }
0x67: {  	[sflag:s0] =	ssyncadd.s32 @!p0 s1  }
0x68: {  	[bflag:$0x3] =	sbarrier.arrive $0xFFFF  }
0x69: {  	_ =	shalt  }

</sc_bundles>
